<compile_context>
chip_gen: v7x
topology: tpu7x:2x2x1
jax: 0.10.2.dev20260603
libtpu: 0.0.44.dev20260713+nightly
codegen_flags: <defaults>
</compile_context>

<pallas_src>
import functools

import jax
import jax.numpy as jnp
from jax import lax
from jax.experimental import pallas as pl
from jax.experimental.pallas import tpu as pltpu
from jax.experimental.pallas import tpu_sc as plsc

N_TILES = 32
EDGE_BLK = 128
N_BLK = 80
CHUNK = 8
N_CHUNK = N_BLK // CHUNK
EPT = EDGE_BLK * N_BLK
D = 128
L = 16
R_PAD = 10112
ROWS_PT = R_PAD // 16


def _sc_aggregate(x, srcp, dstp, zrow):
  mesh = plsc.VectorSubcoreMesh(core_axis_name="c", subcore_axis_name="s")

  @functools.partial(
      pl.kernel,
      out_type=[
          jax.ShapeDtypeStruct((2, R_PAD, D), jnp.float32),
          jax.ShapeDtypeStruct((N_TILES, R_PAD), jnp.float32),
      ],
      mesh=mesh,
      compiler_params=pltpu.CompilerParams(needs_layout_passes=False),
      scratch_types=[
          pltpu.VMEM((CHUNK, EDGE_BLK), jnp.int32),
          pltpu.VMEM((CHUNK, EDGE_BLK), jnp.int32),
          pltpu.VMEM((EDGE_BLK, D), jnp.float32),
          pltpu.VMEM((EDGE_BLK, D), jnp.float32),
          pltpu.VMEM((R_PAD,), jnp.float32),
          pltpu.VMEM_SHARED((R_PAD, D), jnp.float32),
          pltpu.SemaphoreType.DMA,
          pltpu.SemaphoreType.DMA,
      ],
  )
  def k(x_hbm, src_hbm, dst_hbm, zrow_hbm, psum_hbm, pcnt_hbm,
        srcv, dstv, r0, r1, hist, accum, s0, s1):
    cid = lax.axis_index("c")
    sid = lax.axis_index("s")
    wid = cid * 16 + sid
    base = sid * ROWS_PT

    ones_v = jnp.ones((L,), jnp.float32)
    zero_v = jnp.zeros((L,), jnp.float32)

    def init_hist(r, carry):
      hist[pl.ds(r * L, L)] = zero_v
      return carry

    lax.fori_loop(0, R_PAD // L, init_hist, 0)

    pltpu.sync_copy(zrow_hbm, accum.at[pl.ds(base, ROWS_PT)])
    plsc.subcore_barrier()

    def fire(j, buf, sem):
      pltpu.async_copy(x_hbm.at[srcv.at[j]], buf, sem)

    def wait(j, buf, sem):
      pltpu.make_async_copy(x_hbm.at[srcv.at[j]], buf, sem).wait()

    def scat(j, buf):
      pltpu.sync_copy(buf, accum.at[dstv.at[j]], add=True)
      for u in range(EDGE_BLK // L):
        idx = dstv[j, pl.ds(u * L, L)]
        plsc.addupdate_scatter(hist, [idx], ones_v)

    def chunk_body(c, carry):
      pltpu.sync_copy(src_hbm.at[wid, pl.ds(c * CHUNK, CHUNK)], srcv)
      pltpu.sync_copy(dst_hbm.at[wid, pl.ds(c * CHUNK, CHUNK)], dstv)
      fire(0, r0, s0)
      fire(1, r1, s1)

      def pipe(j2, inner):
        j = 2 * j2
        wait(j, r0, s0)
        scat(j, r0)
        fire(j + 2, r0, s0)
        wait(j + 1, r1, s1)
        scat(j + 1, r1)
        fire(j + 3, r1, s1)
        return inner

      lax.fori_loop(0, CHUNK // 2 - 1, pipe, carry)
      wait(CHUNK - 2, r0, s0)
      scat(CHUNK - 2, r0)
      wait(CHUNK - 1, r1, s1)
      scat(CHUNK - 1, r1)
      return carry

    lax.fori_loop(0, N_CHUNK, chunk_body, 0)
    plsc.subcore_barrier()
    pltpu.sync_copy(accum.at[pl.ds(base, ROWS_PT)],
                    psum_hbm.at[cid, pl.ds(base, ROWS_PT)])
    pltpu.sync_copy(hist, pcnt_hbm.at[wid])

  return k(x, srcp, dstp, zrow)


def _normalize(psum, pcnt, b):
  blk = 1000

  def body(ps_ref, pc_ref, o_ref):
    s = ps_ref[0] + ps_ref[1]
    c = jnp.sum(pc_ref[...], axis=1)
    o_ref[...] = s / jnp.maximum(c, 1.0)[:, None]

  return pl.pallas_call(
      body,
      grid=(b // blk,),
      in_specs=[
          pl.BlockSpec((2, blk, D), lambda i: (0, i, 0)),
          pl.BlockSpec((blk, N_TILES), lambda i: (i, 0)),
      ],
      out_specs=pl.BlockSpec((blk, D), lambda i: (i, 0)),
      out_shape=jax.ShapeDtypeStruct((b, D), jnp.float32),
  )(psum[:, :b], pcnt[:b])


def kernel(x, nodes, edge_index):
  b = nodes.shape[0]
  n = x.shape[0]
  e = edge_index.shape[1]
  pad = N_TILES * EPT - e
  ppt = pad // N_TILES
  pad_src = jnp.broadcast_to(
      (jnp.arange(ppt, dtype=jnp.int32) * 41) % n, (N_TILES, ppt))
  pad_dst = jnp.broadcast_to(
      b + (jnp.arange(ppt, dtype=jnp.int32) % (R_PAD - b)), (N_TILES, ppt))
  src = jnp.concatenate([edge_index[0].reshape(N_TILES, -1), pad_src], axis=1)
  dst = jnp.concatenate([edge_index[1].reshape(N_TILES, -1), pad_dst], axis=1)
  srcp = src.reshape(N_TILES, N_BLK, EDGE_BLK)
  dstp = dst.reshape(N_TILES, N_BLK, EDGE_BLK)
  zrow = jnp.zeros((ROWS_PT, D), jnp.float32)
  psum, pcnt = _sc_aggregate(x, srcp, dstp, zrow)
  return _normalize(psum, pcnt.T, b)

# --- scband reference (transcript-rebuilt; emitter-appended) ---
"""Pipeline reference for scband-mean-aggregator-70970039599213 (READ-ONLY COPY).

The authoritative reference and input builder live on the scoring server;
editing this copy changes nothing except your own understanding.
"""

import jax, jax.numpy as jnp
import numpy as np

N_NODES = 10000
N_EDGES = 320000
D_FEAT = 128


def setup_inputs(seed: int = 0) -> dict:
    key = jax.random.key(seed)
    k1, k2 = jax.random.split(key, 2)
    # 'features' lookup function is materialized as a dense feature table x[N, D]
    x = jax.random.normal(k1, (N_NODES, D_FEAT), dtype=jnp.float32)
    # batch of target nodes (one row per node, matching mask rows)
    nodes = jnp.arange(N_NODES, dtype=jnp.int32)
    # edge_index[0] = source/neighbor node ids (columns of the dense mask in the
    # original code, i.e. entries of unique_nodes_list); edge_index[1] = batch row
    # (which node in `nodes` each neighbor belongs to). Encodes to_neighs as a flat
    # edge list instead of python sets.
    edge_index = jax.random.randint(k2, (2, N_EDGES), 0, N_NODES, dtype=jnp.int32)
    return {"x": x, "nodes": nodes, "edge_index": edge_index}


def reference(x, nodes, edge_index):
    # Original: builds a row-normalized 0/1 mask [B, U] over unique neighbor ids
    # and computes mask.mm(features(unique_nodes)).  That is exactly a per-row
    # MEAN over neighbor embeddings, which we compute as gather + segment-sum.
    src = edge_index[0]  # neighbor node id -> gather row of feature table
    dst = edge_index[1]  # batch row index (which target node)
    B = nodes.shape[0]
    gathered = jnp.take(x, src, axis=0)                      # [E, D] embed_matrix rows
    sums = jax.ops.segment_sum(gathered, dst, num_segments=B)  # mask @ embed (unnormalized)
    counts = jax.ops.segment_sum(jnp.ones_like(src, dtype=x.dtype), dst, num_segments=B)
    # mask = mask.div(num_neigh): row-normalize by neighbor count
    to_feats = sums / jnp.maximum(counts, 1.0)[:, None]
    return to_feats

if __name__ == "__main__":
    import jax
    _d = setup_inputs()
    print(jax.jit(kernel)(*tuple(_d.values())))

</pallas_src>

<mosaic_0001>
#map = affine_map<(d0, d1) -> (0, 0)>
#map1 = affine_map<(d0, d1) -> (0, 0, 0)>
module attributes {stable_mosaic.version = 14 : i64} {
  func.func @k(%arg0: i32, %arg1: i32, %arg2: memref<10000x128xf32, #tpu.memory_space<hbm>>, %arg3: memref<32x80x128xi32, #tpu.memory_space<hbm>>, %arg4: memref<32x80x128xi32, #tpu.memory_space<hbm>>, %arg5: memref<632x128xf32, #tpu.memory_space<hbm>>, %arg6: memref<2x10112x128xf32, #tpu.memory_space<hbm>>, %arg7: memref<32x10112xf32, #tpu.memory_space<hbm>>, %arg8: memref<8x128xi32, #tpu.memory_space<vmem>>, %arg9: memref<8x128xi32, #tpu.memory_space<vmem>>, %arg10: memref<128x128xf32, #tpu.memory_space<vmem>>, %arg11: memref<128x128xf32, #tpu.memory_space<vmem>>, %arg12: memref<10112xf32, #tpu.memory_space<vmem>>, %arg13: memref<10112x128xf32, #tpu.memory_space<vmem_shared>>, %arg14: memref<!tpu.dma_semaphore, #tpu.memory_space<semaphore_mem>>, %arg15: memref<!tpu.dma_semaphore, #tpu.memory_space<semaphore_mem>>) attributes {dimension_semantics = [#tpu.dimension_semantics<core_parallel>, #tpu.dimension_semantics<subcore_parallel>], iteration_bounds = array<i64: 2, 16>, scalar_prefetch = 0 : i64, scratch_operands = 8 : i64, tpu.core_type = #tpu.core_type<sc_vector_subcore>, window_params = [{transform_indices = #map}, {transform_indices = #map1}, {transform_indices = #map1}, {transform_indices = #map}, {transform_indices = #map1}, {transform_indices = #map}]} {
    %mul3A = arith.constant 16 : i32
    %mul3A_0 = arith.muli %arg0, %mul3A : i32
    %add3A = arith.addi %mul3A_0, %arg1 : i32
    %mul3A_1 = arith.constant 632 : i32
    %mul3A_2 = arith.muli %arg1, %mul3A_1 : i32
    %broadcast_in_dim3A = arith.constant 1.000000e+00 : f32
    %broadcast_in_dim3A_3 = vector.broadcast %broadcast_in_dim3A : f32 to vector<16xf32>
    %broadcast_in_dim3A_4 = arith.constant 0.000000e+00 : f32
    %broadcast_in_dim3A_5 = vector.broadcast %broadcast_in_dim3A_4 : f32 to vector<16xf32>
    %scan3A = arith.constant 0 : i32
    %scan3A_6 = arith.constant 0 : i32
    %scan3A_7 = arith.constant 632 : i32
    %scan3A_8 = arith.addi %scan3A_6, %scan3A_7 : i32
    %scan3A_9 = arith.constant 1 : i32
    scf.for %scan3A_18 = %scan3A_6 to %scan3A_8 step %scan3A_9  : i32 {
      %mul3A_19 = arith.constant 16 : i32
      %mul3A_20 = arith.muli %scan3A_18, %mul3A_19 : i32
      %swap3A = arith.index_cast %mul3A_20 : i32 to index
      %swap3A_21 = tpu.vector_load %arg12[%swap3A] {strides = array<i32>} : memref<10112xf32, #tpu.memory_space<vmem>>, vector<16xf32>,
      tpu.vector_store %arg12[%swap3A], %broadcast_in_dim3A_5 {strides = array<i32>} : memref<10112xf32, #tpu.memory_space<vmem>>, vector<16xf32>,
    }
    %scan3A_10 = arith.constant 632 : i32
    "tpu.region"() ({
      %run_scoped3A = tpu.sem_alloc : memref<!tpu.dma_semaphore, #tpu.memory_space<semaphore_mem>>
      %dma_start3A = arith.constant 0 : i32
      %dma_start3A_18 = tpu.memref_slice %arg13[%mul3A_2, %dma_start3A] : memref<10112x128xf32, #tpu.memory_space<vmem_shared>> -> memref<632x128xf32, #tpu.memory_space<vmem_shared>>
      tpu.enqueue_dma source(%arg5 : memref<632x128xf32, #tpu.memory_space<hbm>>) target(%dma_start3A_18 : memref<632x128xf32, #tpu.memory_space<vmem_shared>>) target_semaphore(%run_scoped3A : memref<!tpu.dma_semaphore, #tpu.memory_space<semaphore_mem>>)
      %dma_wait3A = arith.constant 0 : i32
      %dma_wait3A_19 = tpu.memref_slice %arg13[%mul3A_2, %dma_wait3A] : memref<10112x128xf32, #tpu.memory_space<vmem_shared>> -> memref<632x128xf32, #tpu.memory_space<vmem_shared>>
      tpu.wait_dma2 semaphore(%run_scoped3A : memref<!tpu.dma_semaphore, #tpu.memory_space<semaphore_mem>>) src(%arg5 : memref<632x128xf32, #tpu.memory_space<hbm>>) dst(%dma_wait3A_19 : memref<632x128xf32, #tpu.memory_space<vmem_shared>>)
      tpu.yield
    }) : () -> ()
    %barrier3A = arith.constant 0 : index
    tpu.barrier barrier_id(%barrier3A)
    %scan3A_11 = arith.constant 0 : i32
    %scan3A_12 = arith.constant 0 : i32
    %scan3A_13 = arith.constant 10 : i32
    %scan3A_14 = arith.addi %scan3A_12, %scan3A_13 : i32
    %scan3A_15 = arith.constant 1 : i32
    scf.for %scan3A_18 = %scan3A_12 to %scan3A_14 step %scan3A_15  : i32 {
      %mul3A_19 = arith.constant 8 : i32
      %mul3A_20 = arith.muli %scan3A_18, %mul3A_19 : i32
      "tpu.region"() ({
        %run_scoped3A_118 = tpu.sem_alloc : memref<!tpu.dma_semaphore, #tpu.memory_space<semaphore_mem>>
        %dma_start3A_119 = arith.constant 0 : i32
        %dma_start3A_120 = tpu.memref_slice %arg3[%add3A, %mul3A_20, %dma_start3A_119] : memref<32x80x128xi32, #tpu.memory_space<hbm>> -> memref<1x8x128xi32, #tpu.memory_space<hbm>>
        %dma_start3A_121 = tpu.memref_squeeze %dma_start3A_120 : memref<1x8x128xi32, #tpu.memory_space<hbm>> -> memref<8x128xi32, #tpu.memory_space<hbm>>
        %dma_start3A_122 = arith.constant 0 : i32
        %dma_start3A_123 = tpu.memref_slice %arg3[%add3A, %mul3A_20, %dma_start3A_122] : memref<32x80x128xi32, #tpu.memory_space<hbm>> -> memref<1x8x128xi32, #tpu.memory_space<hbm>>
        %dma_start3A_124 = tpu.memref_squeeze %dma_start3A_123 : memref<1x8x128xi32, #tpu.memory_space<hbm>> -> memref<8x128xi32, #tpu.memory_space<hbm>>
        tpu.enqueue_dma source(%dma_start3A_124 : memref<8x128xi32, #tpu.memory_space<hbm>>) target(%arg8 : memref<8x128xi32, #tpu.memory_space<vmem>>) target_semaphore(%run_scoped3A_118 : memref<!tpu.dma_semaphore, #tpu.memory_space<semaphore_mem>>)
        %dma_wait3A_125 = arith.constant 0 : i32
        %dma_wait3A_126 = tpu.memref_slice %arg3[%add3A, %mul3A_20, %dma_wait3A_125] : memref<32x80x128xi32, #tpu.memory_space<hbm>> -> memref<1x8x128xi32, #tpu.memory_space<hbm>>
        %dma_wait3A_127 = tpu.memref_squeeze %dma_wait3A_126 : memref<1x8x128xi32, #tpu.memory_space<hbm>> -> memref<8x128xi32, #tpu.memory_space<hbm>>
        %dma_wait3A_128 = arith.constant 0 : i32
        %dma_wait3A_129 = tpu.memref_slice %arg3[%add3A, %mul3A_20, %dma_wait3A_128] : memref<32x80x128xi32, #tpu.memory_space<hbm>> -> memref<1x8x128xi32, #tpu.memory_space<hbm>>
        %dma_wait3A_130 = tpu.memref_squeeze %dma_wait3A_129 : memref<1x8x128xi32, #tpu.memory_space<hbm>> -> memref<8x128xi32, #tpu.memory_space<hbm>>
        tpu.wait_dma2 semaphore(%run_scoped3A_118 : memref<!tpu.dma_semaphore, #tpu.memory_space<semaphore_mem>>) src(%dma_wait3A_130 : memref<8x128xi32, #tpu.memory_space<hbm>>) dst(%arg8 : memref<8x128xi32, #tpu.memory_space<vmem>>)
        tpu.yield
      }) : () -> ()
      %mul3A_21 = arith.constant 8 : i32
      %mul3A_22 = arith.muli %scan3A_18, %mul3A_21 : i32
      "tpu.region"() ({
        %run_scoped3A_118 = tpu.sem_alloc : memref<!tpu.dma_semaphore, #tpu.memory_space<semaphore_mem>>
        %dma_start3A_119 = arith.constant 0 : i32
        %dma_start3A_120 = tpu.memref_slice %arg4[%add3A, %mul3A_22, %dma_start3A_119] : memref<32x80x128xi32, #tpu.memory_space<hbm>> -> memref<1x8x128xi32, #tpu.memory_space<hbm>>
        %dma_start3A_121 = tpu.memref_squeeze %dma_start3A_120 : memref<1x8x128xi32, #tpu.memory_space<hbm>> -> memref<8x128xi32, #tpu.memory_space<hbm>>
        %dma_start3A_122 = arith.constant 0 : i32
        %dma_start3A_123 = tpu.memref_slice %arg4[%add3A, %mul3A_22, %dma_start3A_122] : memref<32x80x128xi32, #tpu.memory_space<hbm>> -> memref<1x8x128xi32, #tpu.memory_space<hbm>>
        %dma_start3A_124 = tpu.memref_squeeze %dma_start3A_123 : memref<1x8x128xi32, #tpu.memory_space<hbm>> -> memref<8x128xi32, #tpu.memory_space<hbm>>
        tpu.enqueue_dma source(%dma_start3A_124 : memref<8x128xi32, #tpu.memory_space<hbm>>) target(%arg9 : memref<8x128xi32, #tpu.memory_space<vmem>>) target_semaphore(%run_scoped3A_118 : memref<!tpu.dma_semaphore, #tpu.memory_space<semaphore_mem>>)
        %dma_wait3A_125 = arith.constant 0 : i32
        %dma_wait3A_126 = tpu.memref_slice %arg4[%add3A, %mul3A_22, %dma_wait3A_125] : memref<32x80x128xi32, #tpu.memory_space<hbm>> -> memref<1x8x128xi32, #tpu.memory_space<hbm>>
        %dma_wait3A_127 = tpu.memref_squeeze %dma_wait3A_126 : memref<1x8x128xi32, #tpu.memory_space<hbm>> -> memref<8x128xi32, #tpu.memory_space<hbm>>
        %dma_wait3A_128 = arith.constant 0 : i32
        %dma_wait3A_129 = tpu.memref_slice %arg4[%add3A, %mul3A_22, %dma_wait3A_128] : memref<32x80x128xi32, #tpu.memory_space<hbm>> -> memref<1x8x128xi32, #tpu.memory_space<hbm>>
        %dma_wait3A_130 = tpu.memref_squeeze %dma_wait3A_129 : memref<1x8x128xi32, #tpu.memory_space<hbm>> -> memref<8x128xi32, #tpu.memory_space<hbm>>
        tpu.wait_dma2 semaphore(%run_scoped3A_118 : memref<!tpu.dma_semaphore, #tpu.memory_space<semaphore_mem>>) src(%dma_wait3A_130 : memref<8x128xi32, #tpu.memory_space<hbm>>) dst(%arg9 : memref<8x128xi32, #tpu.memory_space<vmem>>)
        tpu.yield
      }) : () -> ()
      %dma_start3A = arith.constant 0 : i32
      %dma_start3A_23 = arith.constant 0 : i32
      %dma_start3A_24 = tpu.memref_slice %arg8[%dma_start3A, %dma_start3A_23] : memref<8x128xi32, #tpu.memory_space<vmem>> -> memref<1x128xi32, #tpu.memory_space<vmem>>
      %dma_start3A_25 = tpu.memref_squeeze %dma_start3A_24 : memref<1x128xi32, #tpu.memory_space<vmem>> -> memref<128xi32, #tpu.memory_space<vmem>>
      %dma_start3A_26 = arith.constant 0 : i32
      %dma_start3A_27 = arith.constant 0 : i32
      %dma_start3A_28 = tpu.memref_slice %arg2[%dma_start3A_26, %dma_start3A_27] : memref<10000x128xf32, #tpu.memory_space<hbm>> -> memref<10000x128xf32, #tpu.memory_space<hbm>>
      tpu.enqueue_indirect_dma source(%dma_start3A_28 : memref<10000x128xf32, #tpu.memory_space<hbm>>) target(%arg10 : memref<128x128xf32, #tpu.memory_space<vmem>>) offsets(%dma_start3A_25 : memref<128xi32, #tpu.memory_space<vmem>>) semaphore(%arg14 : memref<!tpu.dma_semaphore, #tpu.memory_space<semaphore_mem>>)
      %dma_start3A_29 = arith.constant 1 : i32
      %dma_start3A_30 = arith.constant 0 : i32
      %dma_start3A_31 = tpu.memref_slice %arg8[%dma_start3A_29, %dma_start3A_30] : memref<8x128xi32, #tpu.memory_space<vmem>> -> memref<1x128xi32, #tpu.memory_space<vmem>>
      %dma_start3A_32 = tpu.memref_squeeze %dma_start3A_31 : memref<1x128xi32, #tpu.memory_space<vmem>> -> memref<128xi32, #tpu.memory_space<vmem>>
      %dma_start3A_33 = arith.constant 0 : i32
      %dma_start3A_34 = arith.constant 0 : i32
      %dma_start3A_35 = tpu.memref_slice %arg2[%dma_start3A_33, %dma_start3A_34] : memref<10000x128xf32, #tpu.memory_space<hbm>> -> memref<10000x128xf32, #tpu.memory_space<hbm>>
      tpu.enqueue_indirect_dma source(%dma_start3A_35 : memref<10000x128xf32, #tpu.memory_space<hbm>>) target(%arg11 : memref<128x128xf32, #tpu.memory_space<vmem>>) offsets(%dma_start3A_32 : memref<128xi32, #tpu.memory_space<vmem>>) semaphore(%arg15 : memref<!tpu.dma_semaphore, #tpu.memory_space<semaphore_mem>>)
      %scan3A_36 = arith.constant 0 : i32
      %scan3A_37 = arith.constant 3 : i32
      %scan3A_38 = arith.addi %scan3A_36, %scan3A_37 : i32
      %scan3A_39 = arith.constant 1 : i32
      scf.for %scan3A_118 = %scan3A_36 to %scan3A_38 step %scan3A_39  : i32 {
        %mul3A_119 = arith.constant 2 : i32
        %mul3A_120 = arith.muli %mul3A_119, %scan3A_118 : i32
        %dma_wait3A_121 = arith.constant 0 : i32
        %dma_wait3A_122 = tpu.memref_slice %arg8[%mul3A_120, %dma_wait3A_121] : memref<8x128xi32, #tpu.memory_space<vmem>> -> memref<1x128xi32, #tpu.memory_space<vmem>>
        %dma_wait3A_123 = tpu.memref_squeeze %dma_wait3A_122 : memref<1x128xi32, #tpu.memory_space<vmem>> -> memref<128xi32, #tpu.memory_space<vmem>>
        %dma_wait3A_124 = arith.constant 0 : i32
        %dma_wait3A_125 = arith.constant 0 : i32
        %dma_wait3A_126 = tpu.memref_slice %arg2[%dma_wait3A_124, %dma_wait3A_125] : memref<10000x128xf32, #tpu.memory_space<hbm>> -> memref<10000x128xf32, #tpu.memory_space<hbm>>
        tpu.wait_indirect_dma semaphore(%arg14 : memref<!tpu.dma_semaphore, #tpu.memory_space<semaphore_mem>>) src(%dma_wait3A_126 : memref<10000x128xf32, #tpu.memory_space<hbm>>) dst(%arg10 : memref<128x128xf32, #tpu.memory_space<vmem>>)
        "tpu.region"() ({
          %run_scoped3A_201 = tpu.sem_alloc : memref<!tpu.dma_semaphore, #tpu.memory_space<semaphore_mem>>
          %dma_start3A_202 = arith.constant 0 : i32
          %dma_start3A_203 = tpu.memref_slice %arg9[%mul3A_120, %dma_start3A_202] : memref<8x128xi32, #tpu.memory_space<vmem>> -> memref<1x128xi32, #tpu.memory_space<vmem>>
          %dma_start3A_204 = tpu.memref_squeeze %dma_start3A_203 : memref<1x128xi32, #tpu.memory_space<vmem>> -> memref<128xi32, #tpu.memory_space<vmem>>
          %dma_start3A_205 = arith.constant 0 : i32
          %dma_start3A_206 = arith.constant 0 : i32
          %dma_start3A_207 = tpu.memref_slice %arg13[%dma_start3A_205, %dma_start3A_206] : memref<10112x128xf32, #tpu.memory_space<vmem_shared>> -> memref<10112x128xf32, #tpu.memory_space<vmem_shared>>
          tpu.enqueue_indirect_dma source(%arg10 : memref<128x128xf32, #tpu.memory_space<vmem>>) target(%dma_start3A_207 : memref<10112x128xf32, #tpu.memory_space<vmem_shared>>) offsets(%dma_start3A_204 : memref<128xi32, #tpu.memory_space<vmem>>) semaphore(%run_scoped3A_201 : memref<!tpu.dma_semaphore, #tpu.memory_space<semaphore_mem>>) {add = true}
          %dma_wait3A_208 = arith.constant 0 : i32
          %dma_wait3A_209 = tpu.memref_slice %arg9[%mul3A_120, %dma_wait3A_208] : memref<8x128xi32, #tpu.memory_space<vmem>> -> memref<1x128xi32, #tpu.memory_space<vmem>>
          %dma_wait3A_210 = tpu.memref_squeeze %dma_wait3A_209 : memref<1x128xi32, #tpu.memory_space<vmem>> -> memref<128xi32, #tpu.memory_space<vmem>>
          %dma_wait3A_211 = arith.constant 0 : i32
          %dma_wait3A_212 = arith.constant 0 : i32
          %dma_wait3A_213 = tpu.memref_slice %arg13[%dma_wait3A_211, %dma_wait3A_212] : memref<10112x128xf32, #tpu.memory_space<vmem_shared>> -> memref<10112x128xf32, #tpu.memory_space<vmem_shared>>
          tpu.wait_indirect_dma semaphore(%run_scoped3A_201 : memref<!tpu.dma_semaphore, #tpu.memory_space<semaphore_mem>>) src(%arg10 : memref<128x128xf32, #tpu.memory_space<vmem>>) dst(%dma_wait3A_213 : memref<10112x128xf32, #tpu.memory_space<vmem_shared>>)
          tpu.yield
        }) : () -> ()
        %get3A_127 = arith.index_cast %mul3A_120 : i32 to index
        %get3A_128 = arith.constant 0 : index
        %get3A_129 = tpu.vector_load %arg9[%get3A_127, %get3A_128] {strides = array<i32>} : memref<8x128xi32, #tpu.memory_space<vmem>>, vector<16xi32>,
        tpu.vector_store_idx %arg12[%get3A_129], %broadcast_in_dim3A_3 {add = true} : memref<10112xf32, #tpu.memory_space<vmem>>[vector<16xi32>], vector<16xf32>,
        %get3A_130 = arith.index_cast %mul3A_120 : i32 to index
        %get3A_131 = arith.constant 16 : index
        %get3A_132 = tpu.vector_load %arg9[%get3A_130, %get3A_131] {strides = array<i32>} : memref<8x128xi32, #tpu.memory_space<vmem>>, vector<16xi32>,
        tpu.vector_store_idx %arg12[%get3A_132], %broadcast_in_dim3A_3 {add = true} : memref<10112xf32, #tpu.memory_space<vmem>>[vector<16xi32>], vector<16xf32>,
        %get3A_133 = arith.index_cast %mul3A_120 : i32 to index
        %get3A_134 = arith.constant 32 : index
        %get3A_135 = tpu.vector_load %arg9[%get3A_133, %get3A_134] {strides = array<i32>} : memref<8x128xi32, #tpu.memory_space<vmem>>, vector<16xi32>,
        tpu.vector_store_idx %arg12[%get3A_135], %broadcast_in_dim3A_3 {add = true} : memref<10112xf32, #tpu.memory_space<vmem>>[vector<16xi32>], vector<16xf32>,
        %get3A_136 = arith.index_cast %mul3A_120 : i32 to index
        %get3A_137 = arith.constant 48 : index
        %get3A_138 = tpu.vector_load %arg9[%get3A_136, %get3A_137] {strides = array<i32>} : memref<8x128xi32, #tpu.memory_space<vmem>>, vector<16xi32>,
        tpu.vector_store_idx %arg12[%get3A_138], %broadcast_in_dim3A_3 {add = true} : memref<10112xf32, #tpu.memory_space<vmem>>[vector<16xi32>], vector<16xf32>,
        %get3A_139 = arith.index_cast %mul3A_120 : i32 to index
        %get3A_140 = arith.constant 64 : index
        %get3A_141 = tpu.vector_load %arg9[%get3A_139, %get3A_140] {strides = array<i32>} : memref<8x128xi32, #tpu.memory_space<vmem>>, vector<16xi32>,
        tpu.vector_store_idx %arg12[%get3A_141], %broadcast_in_dim3A_3 {add = true} : memref<10112xf32, #tpu.memory_space<vmem>>[vector<16xi32>], vector<16xf32>,
        %get3A_142 = arith.index_cast %mul3A_120 : i32 to index
        %get3A_143 = arith.constant 80 : index
        %get3A_144 = tpu.vector_load %arg9[%get3A_142, %get3A_143] {strides = array<i32>} : memref<8x128xi32, #tpu.memory_space<vmem>>, vector<16xi32>,
        tpu.vector_store_idx %arg12[%get3A_144], %broadcast_in_dim3A_3 {add = true} : memref<10112xf32, #tpu.memory_space<vmem>>[vector<16xi32>], vector<16xf32>,
        %get3A_145 = arith.index_cast %mul3A_120 : i32 to index
        %get3A_146 = arith.constant 96 : index
        %get3A_147 = tpu.vector_load %arg9[%get3A_145, %get3A_146] {strides = array<i32>} : memref<8x128xi32, #tpu.memory_space<vmem>>, vector<16xi32>,
        tpu.vector_store_idx %arg12[%get3A_147], %broadcast_in_dim3A_3 {add = true} : memref<10112xf32, #tpu.memory_space<vmem>>[vector<16xi32>], vector<16xf32>,
        %get3A_148 = arith.index_cast %mul3A_120 : i32 to index
        %get3A_149 = arith.constant 112 : index
        %get3A_150 = tpu.vector_load %arg9[%get3A_148, %get3A_149] {strides = array<i32>} : memref<8x128xi32, #tpu.memory_space<vmem>>, vector<16xi32>,
        tpu.vector_store_idx %arg12[%get3A_150], %broadcast_in_dim3A_3 {add = true} : memref<10112xf32, #tpu.memory_space<vmem>>[vector<16xi32>], vector<16xf32>,
        %add3A_151 = arith.constant 2 : i32
        %add3A_152 = arith.addi %mul3A_120, %add3A_151 : i32
        %dma_start3A_153 = arith.constant 0 : i32
        %dma_start3A_154 = tpu.memref_slice %arg8[%add3A_152, %dma_start3A_153] : memref<8x128xi32, #tpu.memory_space<vmem>> -> memref<1x128xi32, #tpu.memory_space<vmem>>
        %dma_start3A_155 = tpu.memref_squeeze %dma_start3A_154 : memref<1x128xi32, #tpu.memory_space<vmem>> -> memref<128xi32, #tpu.memory_space<vmem>>
        %dma_start3A_156 = arith.constant 0 : i32
        %dma_start3A_157 = arith.constant 0 : i32
        %dma_start3A_158 = tpu.memref_slice %arg2[%dma_start3A_156, %dma_start3A_157] : memref<10000x128xf32, #tpu.memory_space<hbm>> -> memref<10000x128xf32, #tpu.memory_space<hbm>>
        tpu.enqueue_indirect_dma source(%dma_start3A_158 : memref<10000x128xf32, #tpu.memory_space<hbm>>) target(%arg10 : memref<128x128xf32, #tpu.memory_space<vmem>>) offsets(%dma_start3A_155 : memref<128xi32, #tpu.memory_space<vmem>>) semaphore(%arg14 : memref<!tpu.dma_semaphore, #tpu.memory_space<semaphore_mem>>)
        %add3A_159 = arith.constant 1 : i32
        %add3A_160 = arith.addi %mul3A_120, %add3A_159 : i32
        %dma_wait3A_161 = arith.constant 0 : i32
        %dma_wait3A_162 = tpu.memref_slice %arg8[%add3A_160, %dma_wait3A_161] : memref<8x128xi32, #tpu.memory_space<vmem>> -> memref<1x128xi32, #tpu.memory_space<vmem>>
        %dma_wait3A_163 = tpu.memref_squeeze %dma_wait3A_162 : memref<1x128xi32, #tpu.memory_space<vmem>> -> memref<128xi32, #tpu.memory_space<vmem>>
        %dma_wait3A_164 = arith.constant 0 : i32
        %dma_wait3A_165 = arith.constant 0 : i32
        %dma_wait3A_166 = tpu.memref_slice %arg2[%dma_wait3A_164, %dma_wait3A_165] : memref<10000x128xf32, #tpu.memory_space<hbm>> -> memref<10000x128xf32, #tpu.memory_space<hbm>>
        tpu.wait_indirect_dma semaphore(%arg15 : memref<!tpu.dma_semaphore, #tpu.memory_space<semaphore_mem>>) src(%dma_wait3A_166 : memref<10000x128xf32, #tpu.memory_space<hbm>>) dst(%arg11 : memref<128x128xf32, #tpu.memory_space<vmem>>)
        %add3A_167 = arith.constant 1 : i32
        %add3A_168 = arith.addi %mul3A_120, %add3A_167 : i32
        "tpu.region"() ({
          %run_scoped3A_201 = tpu.sem_alloc : memref<!tpu.dma_semaphore, #tpu.memory_space<semaphore_mem>>
          %dma_start3A_202 = arith.constant 0 : i32
          %dma_start3A_203 = tpu.memref_slice %arg9[%add3A_168, %dma_start3A_202] : memref<8x128xi32, #tpu.memory_space<vmem>> -> memref<1x128xi32, #tpu.memory_space<vmem>>
          %dma_start3A_204 = tpu.memref_squeeze %dma_start3A_203 : memref<1x128xi32, #tpu.memory_space<vmem>> -> memref<128xi32, #tpu.memory_space<vmem>>
          %dma_start3A_205 = arith.constant 0 : i32
          %dma_start3A_206 = arith.constant 0 : i32
          %dma_start3A_207 = tpu.memref_slice %arg13[%dma_start3A_205, %dma_start3A_206] : memref<10112x128xf32, #tpu.memory_space<vmem_shared>> -> memref<10112x128xf32, #tpu.memory_space<vmem_shared>>
          tpu.enqueue_indirect_dma source(%arg11 : memref<128x128xf32, #tpu.memory_space<vmem>>) target(%dma_start3A_207 : memref<10112x128xf32, #tpu.memory_space<vmem_shared>>) offsets(%dma_start3A_204 : memref<128xi32, #tpu.memory_space<vmem>>) semaphore(%run_scoped3A_201 : memref<!tpu.dma_semaphore, #tpu.memory_space<semaphore_mem>>) {add = true}
          %dma_wait3A_208 = arith.constant 0 : i32
          %dma_wait3A_209 = tpu.memref_slice %arg9[%add3A_168, %dma_wait3A_208] : memref<8x128xi32, #tpu.memory_space<vmem>> -> memref<1x128xi32, #tpu.memory_space<vmem>>
          %dma_wait3A_210 = tpu.memref_squeeze %dma_wait3A_209 : memref<1x128xi32, #tpu.memory_space<vmem>> -> memref<128xi32, #tpu.memory_space<vmem>>
          %dma_wait3A_211 = arith.constant 0 : i32
          %dma_wait3A_212 = arith.constant 0 : i32
          %dma_wait3A_213 = tpu.memref_slice %arg13[%dma_wait3A_211, %dma_wait3A_212] : memref<10112x128xf32, #tpu.memory_space<vmem_shared>> -> memref<10112x128xf32, #tpu.memory_space<vmem_shared>>
          tpu.wait_indirect_dma semaphore(%run_scoped3A_201 : memref<!tpu.dma_semaphore, #tpu.memory_space<semaphore_mem>>) src(%arg11 : memref<128x128xf32, #tpu.memory_space<vmem>>) dst(%dma_wait3A_213 : memref<10112x128xf32, #tpu.memory_space<vmem_shared>>)
          tpu.yield
        }) : () -> ()
        %get3A_169 = arith.index_cast %add3A_168 : i32 to index
        %get3A_170 = arith.constant 0 : index
        %get3A_171 = tpu.vector_load %arg9[%get3A_169, %get3A_170] {strides = array<i32>} : memref<8x128xi32, #tpu.memory_space<vmem>>, vector<16xi32>,
        tpu.vector_store_idx %arg12[%get3A_171], %broadcast_in_dim3A_3 {add = true} : memref<10112xf32, #tpu.memory_space<vmem>>[vector<16xi32>], vector<16xf32>,
        %get3A_172 = arith.index_cast %add3A_168 : i32 to index
        %get3A_173 = arith.constant 16 : index
        %get3A_174 = tpu.vector_load %arg9[%get3A_172, %get3A_173] {strides = array<i32>} : memref<8x128xi32, #tpu.memory_space<vmem>>, vector<16xi32>,
        tpu.vector_store_idx %arg12[%get3A_174], %broadcast_in_dim3A_3 {add = true} : memref<10112xf32, #tpu.memory_space<vmem>>[vector<16xi32>], vector<16xf32>,
        %get3A_175 = arith.index_cast %add3A_168 : i32 to index
        %get3A_176 = arith.constant 32 : index
        %get3A_177 = tpu.vector_load %arg9[%get3A_175, %get3A_176] {strides = array<i32>} : memref<8x128xi32, #tpu.memory_space<vmem>>, vector<16xi32>,
        tpu.vector_store_idx %arg12[%get3A_177], %broadcast_in_dim3A_3 {add = true} : memref<10112xf32, #tpu.memory_space<vmem>>[vector<16xi32>], vector<16xf32>,
        %get3A_178 = arith.index_cast %add3A_168 : i32 to index
        %get3A_179 = arith.constant 48 : index
        %get3A_180 = tpu.vector_load %arg9[%get3A_178, %get3A_179] {strides = array<i32>} : memref<8x128xi32, #tpu.memory_space<vmem>>, vector<16xi32>,
        tpu.vector_store_idx %arg12[%get3A_180], %broadcast_in_dim3A_3 {add = true} : memref<10112xf32, #tpu.memory_space<vmem>>[vector<16xi32>], vector<16xf32>,
        %get3A_181 = arith.index_cast %add3A_168 : i32 to index
        %get3A_182 = arith.constant 64 : index
        %get3A_183 = tpu.vector_load %arg9[%get3A_181, %get3A_182] {strides = array<i32>} : memref<8x128xi32, #tpu.memory_space<vmem>>, vector<16xi32>,
        tpu.vector_store_idx %arg12[%get3A_183], %broadcast_in_dim3A_3 {add = true} : memref<10112xf32, #tpu.memory_space<vmem>>[vector<16xi32>], vector<16xf32>,
        %get3A_184 = arith.index_cast %add3A_168 : i32 to index
        %get3A_185 = arith.constant 80 : index
        %get3A_186 = tpu.vector_load %arg9[%get3A_184, %get3A_185] {strides = array<i32>} : memref<8x128xi32, #tpu.memory_space<vmem>>, vector<16xi32>,
        tpu.vector_store_idx %arg12[%get3A_186], %broadcast_in_dim3A_3 {add = true} : memref<10112xf32, #tpu.memory_space<vmem>>[vector<16xi32>], vector<16xf32>,
        %get3A_187 = arith.index_cast %add3A_168 : i32 to index
        %get3A_188 = arith.constant 96 : index
        %get3A_189 = tpu.vector_load %arg9[%get3A_187, %get3A_188] {strides = array<i32>} : memref<8x128xi32, #tpu.memory_space<vmem>>, vector<16xi32>,
        tpu.vector_store_idx %arg12[%get3A_189], %broadcast_in_dim3A_3 {add = true} : memref<10112xf32, #tpu.memory_space<vmem>>[vector<16xi32>], vector<16xf32>,
        %get3A_190 = arith.index_cast %add3A_168 : i32 to index
        %get3A_191 = arith.constant 112 : index
        %get3A_192 = tpu.vector_load %arg9[%get3A_190, %get3A_191] {strides = array<i32>} : memref<8x128xi32, #tpu.memory_space<vmem>>, vector<16xi32>,
        tpu.vector_store_idx %arg12[%get3A_192], %broadcast_in_dim3A_3 {add = true} : memref<10112xf32, #tpu.memory_space<vmem>>[vector<16xi32>], vector<16xf32>,
        %add3A_193 = arith.constant 3 : i32
        %add3A_194 = arith.addi %mul3A_120, %add3A_193 : i32
        %dma_start3A_195 = arith.constant 0 : i32
        %dma_start3A_196 = tpu.memref_slice %arg8[%add3A_194, %dma_start3A_195] : memref<8x128xi32, #tpu.memory_space<vmem>> -> memref<1x128xi32, #tpu.memory_space<vmem>>
        %dma_start3A_197 = tpu.memref_squeeze %dma_start3A_196 : memref<1x128xi32, #tpu.memory_space<vmem>> -> memref<128xi32, #tpu.memory_space<vmem>>
        %dma_start3A_198 = arith.constant 0 : i32
        %dma_start3A_199 = arith.constant 0 : i32
        %dma_start3A_200 = tpu.memref_slice %arg2[%dma_start3A_198, %dma_start3A_199] : memref<10000x128xf32, #tpu.memory_space<hbm>> -> memref<10000x128xf32, #tpu.memory_space<hbm>>
        tpu.enqueue_indirect_dma source(%dma_start3A_200 : memref<10000x128xf32, #tpu.memory_space<hbm>>) target(%arg11 : memref<128x128xf32, #tpu.memory_space<vmem>>) offsets(%dma_start3A_197 : memref<128xi32, #tpu.memory_space<vmem>>) semaphore(%arg15 : memref<!tpu.dma_semaphore, #tpu.memory_space<semaphore_mem>>)
      }
      %scan3A_40 = arith.constant 3 : i32
      %dma_wait3A = arith.constant 6 : i32
      %dma_wait3A_41 = arith.constant 0 : i32
      %dma_wait3A_42 = tpu.memref_slice %arg8[%dma_wait3A, %dma_wait3A_41] : memref<8x128xi32, #tpu.memory_space<vmem>> -> memref<1x128xi32, #tpu.memory_space<vmem>>
      %dma_wait3A_43 = tpu.memref_squeeze %dma_wait3A_42 : memref<1x128xi32, #tpu.memory_space<vmem>> -> memref<128xi32, #tpu.memory_space<vmem>>
      %dma_wait3A_44 = arith.constant 0 : i32
      %dma_wait3A_45 = arith.constant 0 : i32
      %dma_wait3A_46 = tpu.memref_slice %arg2[%dma_wait3A_44, %dma_wait3A_45] : memref<10000x128xf32, #tpu.memory_space<hbm>> -> memref<10000x128xf32, #tpu.memory_space<hbm>>
      tpu.wait_indirect_dma semaphore(%arg14 : memref<!tpu.dma_semaphore, #tpu.memory_space<semaphore_mem>>) src(%dma_wait3A_46 : memref<10000x128xf32, #tpu.memory_space<hbm>>) dst(%arg10 : memref<128x128xf32, #tpu.memory_space<vmem>>)
      %run_scoped3A = arith.constant 6 : i32
      "tpu.region"() ({
        %run_scoped3A_118 = tpu.sem_alloc : memref<!tpu.dma_semaphore, #tpu.memory_space<semaphore_mem>>
        %dma_start3A_119 = arith.constant 0 : i32
        %dma_start3A_120 = tpu.memref_slice %arg9[%run_scoped3A, %dma_start3A_119] : memref<8x128xi32, #tpu.memory_space<vmem>> -> memref<1x128xi32, #tpu.memory_space<vmem>>
        %dma_start3A_121 = tpu.memref_squeeze %dma_start3A_120 : memref<1x128xi32, #tpu.memory_space<vmem>> -> memref<128xi32, #tpu.memory_space<vmem>>
        %dma_start3A_122 = arith.constant 0 : i32
        %dma_start3A_123 = arith.constant 0 : i32
        %dma_start3A_124 = tpu.memref_slice %arg13[%dma_start3A_122, %dma_start3A_123] : memref<10112x128xf32, #tpu.memory_space<vmem_shared>> -> memref<10112x128xf32, #tpu.memory_space<vmem_shared>>
        tpu.enqueue_indirect_dma source(%arg10 : memref<128x128xf32, #tpu.memory_space<vmem>>) target(%dma_start3A_124 : memref<10112x128xf32, #tpu.memory_space<vmem_shared>>) offsets(%dma_start3A_121 : memref<128xi32, #tpu.memory_space<vmem>>) semaphore(%run_scoped3A_118 : memref<!tpu.dma_semaphore, #tpu.memory_space<semaphore_mem>>) {add = true}
        %dma_wait3A_125 = arith.constant 0 : i32
        %dma_wait3A_126 = tpu.memref_slice %arg9[%run_scoped3A, %dma_wait3A_125] : memref<8x128xi32, #tpu.memory_space<vmem>> -> memref<1x128xi32, #tpu.memory_space<vmem>>
        %dma_wait3A_127 = tpu.memref_squeeze %dma_wait3A_126 : memref<1x128xi32, #tpu.memory_space<vmem>> -> memref<128xi32, #tpu.memory_space<vmem>>
        %dma_wait3A_128 = arith.constant 0 : i32
        %dma_wait3A_129 = arith.constant 0 : i32
        %dma_wait3A_130 = tpu.memref_slice %arg13[%dma_wait3A_128, %dma_wait3A_129] : memref<10112x128xf32, #tpu.memory_space<vmem_shared>> -> memref<10112x128xf32, #tpu.memory_space<vmem_shared>>
        tpu.wait_indirect_dma semaphore(%run_scoped3A_118 : memref<!tpu.dma_semaphore, #tpu.memory_space<semaphore_mem>>) src(%arg10 : memref<128x128xf32, #tpu.memory_space<vmem>>) dst(%dma_wait3A_130 : memref<10112x128xf32, #tpu.memory_space<vmem_shared>>)
        tpu.yield
      }) : () -> ()
      %get3A = arith.constant 6 : i32
      %get3A_47 = arith.index_cast %get3A : i32 to index
      %get3A_48 = arith.constant 0 : index
      %get3A_49 = tpu.vector_load %arg9[%get3A_47, %get3A_48] {strides = array<i32>} : memref<8x128xi32, #tpu.memory_space<vmem>>, vector<16xi32>,
      tpu.vector_store_idx %arg12[%get3A_49], %broadcast_in_dim3A_3 {add = true} : memref<10112xf32, #tpu.memory_space<vmem>>[vector<16xi32>], vector<16xf32>,
      %get3A_50 = arith.constant 6 : i32
      %get3A_51 = arith.index_cast %get3A_50 : i32 to index
      %get3A_52 = arith.constant 16 : index
      %get3A_53 = tpu.vector_load %arg9[%get3A_51, %get3A_52] {strides = array<i32>} : memref<8x128xi32, #tpu.memory_space<vmem>>, vector<16xi32>,
      tpu.vector_store_idx %arg12[%get3A_53], %broadcast_in_dim3A_3 {add = true} : memref<10112xf32, #tpu.memory_space<vmem>>[vector<16xi32>], vector<16xf32>,
      %get3A_54 = arith.constant 6 : i32
      %get3A_55 = arith.index_cast %get3A_54 : i32 to index
      %get3A_56 = arith.constant 32 : index
      %get3A_57 = tpu.vector_load %arg9[%get3A_55, %get3A_56] {strides = array<i32>} : memref<8x128xi32, #tpu.memory_space<vmem>>, vector<16xi32>,
      tpu.vector_store_idx %arg12[%get3A_57], %broadcast_in_dim3A_3 {add = true} : memref<10112xf32, #tpu.memory_space<vmem>>[vector<16xi32>], vector<16xf32>,
      %get3A_58 = arith.constant 6 : i32
      %get3A_59 = arith.index_cast %get3A_58 : i32 to index
      %get3A_60 = arith.constant 48 : index
      %get3A_61 = tpu.vector_load %arg9[%get3A_59, %get3A_60] {strides = array<i32>} : memref<8x128xi32, #tpu.memory_space<vmem>>, vector<16xi32>,
      tpu.vector_store_idx %arg12[%get3A_61], %broadcast_in_dim3A_3 {add = true} : memref<10112xf32, #tpu.memory_space<vmem>>[vector<16xi32>], vector<16xf32>,
      %get3A_62 = arith.constant 6 : i32
      %get3A_63 = arith.index_cast %get3A_62 : i32 to index
      %get3A_64 = arith.constant 64 : index
      %get3A_65 = tpu.vector_load %arg9[%get3A_63, %get3A_64] {strides = array<i32>} : memref<8x128xi32, #tpu.memory_space<vmem>>, vector<16xi32>,
      tpu.vector_store_idx %arg12[%get3A_65], %broadcast_in_dim3A_3 {add = true} : memref<10112xf32, #tpu.memory_space<vmem>>[vector<16xi32>], vector<16xf32>,
      %get3A_66 = arith.constant 6 : i32
      %get3A_67 = arith.index_cast %get3A_66 : i32 to index
      %get3A_68 = arith.constant 80 : index
      %get3A_69 = tpu.vector_load %arg9[%get3A_67, %get3A_68] {strides = array<i32>} : memref<8x128xi32, #tpu.memory_space<vmem>>, vector<16xi32>,
      tpu.vector_store_idx %arg12[%get3A_69], %broadcast_in_dim3A_3 {add = true} : memref<10112xf32, #tpu.memory_space<vmem>>[vector<16xi32>], vector<16xf32>,
      %get3A_70 = arith.constant 6 : i32
      %get3A_71 = arith.index_cast %get3A_70 : i32 to index
      %get3A_72 = arith.constant 96 : index
      %get3A_73 = tpu.vector_load %arg9[%get3A_71, %get3A_72] {strides = array<i32>} : memref<8x128xi32, #tpu.memory_space<vmem>>, vector<16xi32>,
      tpu.vector_store_idx %arg12[%get3A_73], %broadcast_in_dim3A_3 {add = true} : memref<10112xf32, #tpu.memory_space<vmem>>[vector<16xi32>], vector<16xf32>,
      %get3A_74 = arith.constant 6 : i32
      %get3A_75 = arith.index_cast %get3A_74 : i32 to index
      %get3A_76 = arith.constant 112 : index
      %get3A_77 = tpu.vector_load %arg9[%get3A_75, %get3A_76] {strides = array<i32>} : memref<8x128xi32, #tpu.memory_space<vmem>>, vector<16xi32>,
      tpu.vector_store_idx %arg12[%get3A_77], %broadcast_in_dim3A_3 {add = true} : memref<10112xf32, #tpu.memory_space<vmem>>[vector<16xi32>], vector<16xf32>,
      %dma_wait3A_78 = arith.constant 7 : i32
      %dma_wait3A_79 = arith.constant 0 : i32
      %dma_wait3A_80 = tpu.memref_slice %arg8[%dma_wait3A_78, %dma_wait3A_79] : memref<8x128xi32, #tpu.memory_space<vmem>> -> memref<1x128xi32, #tpu.memory_space<vmem>>
      %dma_wait3A_81 = tpu.memref_squeeze %dma_wait3A_80 : memref<1x128xi32, #tpu.memory_space<vmem>> -> memref<128xi32, #tpu.memory_space<vmem>>
      %dma_wait3A_82 = arith.constant 0 : i32
      %dma_wait3A_83 = arith.constant 0 : i32
      %dma_wait3A_84 = tpu.memref_slice %arg2[%dma_wait3A_82, %dma_wait3A_83] : memref<10000x128xf32, #tpu.memory_space<hbm>> -> memref<10000x128xf32, #tpu.memory_space<hbm>>
      tpu.wait_indirect_dma semaphore(%arg15 : memref<!tpu.dma_semaphore, #tpu.memory_space<semaphore_mem>>) src(%dma_wait3A_84 : memref<10000x128xf32, #tpu.memory_space<hbm>>) dst(%arg11 : memref<128x128xf32, #tpu.memory_space<vmem>>)
      %run_scoped3A_85 = arith.constant 7 : i32
      "tpu.region"() ({
        %run_scoped3A_118 = tpu.sem_alloc : memref<!tpu.dma_semaphore, #tpu.memory_space<semaphore_mem>>
        %dma_start3A_119 = arith.constant 0 : i32
        %dma_start3A_120 = tpu.memref_slice %arg9[%run_scoped3A_85, %dma_start3A_119] : memref<8x128xi32, #tpu.memory_space<vmem>> -> memref<1x128xi32, #tpu.memory_space<vmem>>
        %dma_start3A_121 = tpu.memref_squeeze %dma_start3A_120 : memref<1x128xi32, #tpu.memory_space<vmem>> -> memref<128xi32, #tpu.memory_space<vmem>>
        %dma_start3A_122 = arith.constant 0 : i32
        %dma_start3A_123 = arith.constant 0 : i32
        %dma_start3A_124 = tpu.memref_slice %arg13[%dma_start3A_122, %dma_start3A_123] : memref<10112x128xf32, #tpu.memory_space<vmem_shared>> -> memref<10112x128xf32, #tpu.memory_space<vmem_shared>>
        tpu.enqueue_indirect_dma source(%arg11 : memref<128x128xf32, #tpu.memory_space<vmem>>) target(%dma_start3A_124 : memref<10112x128xf32, #tpu.memory_space<vmem_shared>>) offsets(%dma_start3A_121 : memref<128xi32, #tpu.memory_space<vmem>>) semaphore(%run_scoped3A_118 : memref<!tpu.dma_semaphore, #tpu.memory_space<semaphore_mem>>) {add = true}
        %dma_wait3A_125 = arith.constant 0 : i32
        %dma_wait3A_126 = tpu.memref_slice %arg9[%run_scoped3A_85, %dma_wait3A_125] : memref<8x128xi32, #tpu.memory_space<vmem>> -> memref<1x128xi32, #tpu.memory_space<vmem>>
        %dma_wait3A_127 = tpu.memref_squeeze %dma_wait3A_126 : memref<1x128xi32, #tpu.memory_space<vmem>> -> memref<128xi32, #tpu.memory_space<vmem>>
        %dma_wait3A_128 = arith.constant 0 : i32
        %dma_wait3A_129 = arith.constant 0 : i32
        %dma_wait3A_130 = tpu.memref_slice %arg13[%dma_wait3A_128, %dma_wait3A_129] : memref<10112x128xf32, #tpu.memory_space<vmem_shared>> -> memref<10112x128xf32, #tpu.memory_space<vmem_shared>>
        tpu.wait_indirect_dma semaphore(%run_scoped3A_118 : memref<!tpu.dma_semaphore, #tpu.memory_space<semaphore_mem>>) src(%arg11 : memref<128x128xf32, #tpu.memory_space<vmem>>) dst(%dma_wait3A_130 : memref<10112x128xf32, #tpu.memory_space<vmem_shared>>)
        tpu.yield
      }) : () -> ()
      %get3A_86 = arith.constant 7 : i32
      %get3A_87 = arith.index_cast %get3A_86 : i32 to index
      %get3A_88 = arith.constant 0 : index
      %get3A_89 = tpu.vector_load %arg9[%get3A_87, %get3A_88] {strides = array<i32>} : memref<8x128xi32, #tpu.memory_space<vmem>>, vector<16xi32>,
      tpu.vector_store_idx %arg12[%get3A_89], %broadcast_in_dim3A_3 {add = true} : memref<10112xf32, #tpu.memory_space<vmem>>[vector<16xi32>], vector<16xf32>,
      %get3A_90 = arith.constant 7 : i32
      %get3A_91 = arith.index_cast %get3A_90 : i32 to index
      %get3A_92 = arith.constant 16 : index
      %get3A_93 = tpu.vector_load %arg9[%get3A_91, %get3A_92] {strides = array<i32>} : memref<8x128xi32, #tpu.memory_space<vmem>>, vector<16xi32>,
      tpu.vector_store_idx %arg12[%get3A_93], %broadcast_in_dim3A_3 {add = true} : memref<10112xf32, #tpu.memory_space<vmem>>[vector<16xi32>], vector<16xf32>,
      %get3A_94 = arith.constant 7 : i32
      %get3A_95 = arith.index_cast %get3A_94 : i32 to index
      %get3A_96 = arith.constant 32 : index
      %get3A_97 = tpu.vector_load %arg9[%get3A_95, %get3A_96] {strides = array<i32>} : memref<8x128xi32, #tpu.memory_space<vmem>>, vector<16xi32>,
      tpu.vector_store_idx %arg12[%get3A_97], %broadcast_in_dim3A_3 {add = true} : memref<10112xf32, #tpu.memory_space<vmem>>[vector<16xi32>], vector<16xf32>,
      %get3A_98 = arith.constant 7 : i32
      %get3A_99 = arith.index_cast %get3A_98 : i32 to index
      %get3A_100 = arith.constant 48 : index
      %get3A_101 = tpu.vector_load %arg9[%get3A_99, %get3A_100] {strides = array<i32>} : memref<8x128xi32, #tpu.memory_space<vmem>>, vector<16xi32>,
      tpu.vector_store_idx %arg12[%get3A_101], %broadcast_in_dim3A_3 {add = true} : memref<10112xf32, #tpu.memory_space<vmem>>[vector<16xi32>], vector<16xf32>,
      %get3A_102 = arith.constant 7 : i32
      %get3A_103 = arith.index_cast %get3A_102 : i32 to index
      %get3A_104 = arith.constant 64 : index
      %get3A_105 = tpu.vector_load %arg9[%get3A_103, %get3A_104] {strides = array<i32>} : memref<8x128xi32, #tpu.memory_space<vmem>>, vector<16xi32>,
      tpu.vector_store_idx %arg12[%get3A_105], %broadcast_in_dim3A_3 {add = true} : memref<10112xf32, #tpu.memory_space<vmem>>[vector<16xi32>], vector<16xf32>,
      %get3A_106 = arith.constant 7 : i32
      %get3A_107 = arith.index_cast %get3A_106 : i32 to index
      %get3A_108 = arith.constant 80 : index
      %get3A_109 = tpu.vector_load %arg9[%get3A_107, %get3A_108] {strides = array<i32>} : memref<8x128xi32, #tpu.memory_space<vmem>>, vector<16xi32>,
      tpu.vector_store_idx %arg12[%get3A_109], %broadcast_in_dim3A_3 {add = true} : memref<10112xf32, #tpu.memory_space<vmem>>[vector<16xi32>], vector<16xf32>,
      %get3A_110 = arith.constant 7 : i32
      %get3A_111 = arith.index_cast %get3A_110 : i32 to index
      %get3A_112 = arith.constant 96 : index
      %get3A_113 = tpu.vector_load %arg9[%get3A_111, %get3A_112] {strides = array<i32>} : memref<8x128xi32, #tpu.memory_space<vmem>>, vector<16xi32>,
      tpu.vector_store_idx %arg12[%get3A_113], %broadcast_in_dim3A_3 {add = true} : memref<10112xf32, #tpu.memory_space<vmem>>[vector<16xi32>], vector<16xf32>,
      %get3A_114 = arith.constant 7 : i32
      %get3A_115 = arith.index_cast %get3A_114 : i32 to index
      %get3A_116 = arith.constant 112 : index
      %get3A_117 = tpu.vector_load %arg9[%get3A_115, %get3A_116] {strides = array<i32>} : memref<8x128xi32, #tpu.memory_space<vmem>>, vector<16xi32>,
      tpu.vector_store_idx %arg12[%get3A_117], %broadcast_in_dim3A_3 {add = true} : memref<10112xf32, #tpu.memory_space<vmem>>[vector<16xi32>], vector<16xf32>,
    }
    %scan3A_16 = arith.constant 10 : i32
    %barrier3A_17 = arith.constant 0 : index
    tpu.barrier barrier_id(%barrier3A_17)
    "tpu.region"() ({
      %run_scoped3A = tpu.sem_alloc : memref<!tpu.dma_semaphore, #tpu.memory_space<semaphore_mem>>
      %dma_start3A = arith.constant 0 : i32
      %dma_start3A_18 = tpu.memref_slice %arg6[%arg0, %mul3A_2, %dma_start3A] : memref<2x10112x128xf32, #tpu.memory_space<hbm>> -> memref<1x632x128xf32, #tpu.memory_space<hbm>>
      %dma_start3A_19 = tpu.memref_squeeze %dma_start3A_18 : memref<1x632x128xf32, #tpu.memory_space<hbm>> -> memref<632x128xf32, #tpu.memory_space<hbm>>
      %dma_start3A_20 = arith.constant 0 : i32
      %dma_start3A_21 = tpu.memref_slice %arg13[%mul3A_2, %dma_start3A_20] : memref<10112x128xf32, #tpu.memory_space<vmem_shared>> -> memref<632x128xf32, #tpu.memory_space<vmem_shared>>
      tpu.enqueue_dma source(%dma_start3A_21 : memref<632x128xf32, #tpu.memory_space<vmem_shared>>) target(%dma_start3A_19 : memref<632x128xf32, #tpu.memory_space<hbm>>) target_semaphore(%run_scoped3A : memref<!tpu.dma_semaphore, #tpu.memory_space<semaphore_mem>>)
      %dma_wait3A = arith.constant 0 : i32
      %dma_wait3A_22 = tpu.memref_slice %arg6[%arg0, %mul3A_2, %dma_wait3A] : memref<2x10112x128xf32, #tpu.memory_space<hbm>> -> memref<1x632x128xf32, #tpu.memory_space<hbm>>
      %dma_wait3A_23 = tpu.memref_squeeze %dma_wait3A_22 : memref<1x632x128xf32, #tpu.memory_space<hbm>> -> memref<632x128xf32, #tpu.memory_space<hbm>>
      %dma_wait3A_24 = arith.constant 0 : i32
      %dma_wait3A_25 = tpu.memref_slice %arg13[%mul3A_2, %dma_wait3A_24] : memref<10112x128xf32, #tpu.memory_space<vmem_shared>> -> memref<632x128xf32, #tpu.memory_space<vmem_shared>>
      tpu.wait_dma2 semaphore(%run_scoped3A : memref<!tpu.dma_semaphore, #tpu.memory_space<semaphore_mem>>) src(%dma_wait3A_25 : memref<632x128xf32, #tpu.memory_space<vmem_shared>>) dst(%dma_wait3A_23 : memref<632x128xf32, #tpu.memory_space<hbm>>)
      tpu.yield
    }) : () -> ()
    "tpu.region"() ({
      %run_scoped3A = tpu.sem_alloc : memref<!tpu.dma_semaphore, #tpu.memory_space<semaphore_mem>>
      %dma_start3A = arith.constant 0 : i32
      %dma_start3A_18 = tpu.memref_slice %arg7[%add3A, %dma_start3A] : memref<32x10112xf32, #tpu.memory_space<hbm>> -> memref<1x10112xf32, #tpu.memory_space<hbm>>
      %dma_start3A_19 = tpu.memref_squeeze %dma_start3A_18 : memref<1x10112xf32, #tpu.memory_space<hbm>> -> memref<10112xf32, #tpu.memory_space<hbm>>
      %dma_start3A_20 = arith.constant 0 : i32
      %dma_start3A_21 = tpu.memref_slice %arg7[%add3A, %dma_start3A_20] : memref<32x10112xf32, #tpu.memory_space<hbm>> -> memref<1x10112xf32, #tpu.memory_space<hbm>>
      %dma_start3A_22 = tpu.memref_squeeze %dma_start3A_21 : memref<1x10112xf32, #tpu.memory_space<hbm>> -> memref<10112xf32, #tpu.memory_space<hbm>>
      tpu.enqueue_dma source(%arg12 : memref<10112xf32, #tpu.memory_space<vmem>>) target(%dma_start3A_22 : memref<10112xf32, #tpu.memory_space<hbm>>) target_semaphore(%run_scoped3A : memref<!tpu.dma_semaphore, #tpu.memory_space<semaphore_mem>>)
      %dma_wait3A = arith.constant 0 : i32
      %dma_wait3A_23 = tpu.memref_slice %arg7[%add3A, %dma_wait3A] : memref<32x10112xf32, #tpu.memory_space<hbm>> -> memref<1x10112xf32, #tpu.memory_space<hbm>>
      %dma_wait3A_24 = tpu.memref_squeeze %dma_wait3A_23 : memref<1x10112xf32, #tpu.memory_space<hbm>> -> memref<10112xf32, #tpu.memory_space<hbm>>
      %dma_wait3A_25 = arith.constant 0 : i32
      %dma_wait3A_26 = tpu.memref_slice %arg7[%add3A, %dma_wait3A_25] : memref<32x10112xf32, #tpu.memory_space<hbm>> -> memref<1x10112xf32, #tpu.memory_space<hbm>>
      %dma_wait3A_27 = tpu.memref_squeeze %dma_wait3A_26 : memref<1x10112xf32, #tpu.memory_space<hbm>> -> memref<10112xf32, #tpu.memory_space<hbm>>
      tpu.wait_dma2 semaphore(%run_scoped3A : memref<!tpu.dma_semaphore, #tpu.memory_space<semaphore_mem>>) src(%arg12 : memref<10112xf32, #tpu.memory_space<vmem>>) dst(%dma_wait3A_27 : memref<10112xf32, #tpu.memory_space<hbm>>)
      tpu.yield
    }) : () -> ()
    return
  }
}

module attributes {stable_mosaic.version = 14 : i64} {
  func.func @body(%arg0: i32, %arg1: memref<2x1000x128xf32, #tpu.memory_space<vmem>>, %arg2: memref<1000x32xf32, #tpu.memory_space<vmem>>, %arg3: memref<1000x128xf32, #tpu.memory_space<vmem>>) attributes {dimension_semantics = [#tpu.dimension_semantics<arbitrary>], iteration_bounds = array<i64: 10>, scalar_prefetch = 0 : i64, scratch_operands = 0 : i64, tpu.core_type = #tpu.core_type<tc>, window_params = [{transform_indices = @transform_0, window_bounds = array<i64: 2, 1000, 128>}, {transform_indices = @transform_1, window_bounds = array<i64: 1000, 32>}, {transform_indices = @transform_2, window_bounds = array<i64: 1000, 128>}]} {
    %get3A = arith.constant 0 : index
    %get3A_0 = arith.constant 0 : index
    %get3A_1 = arith.constant 0 : index
    %get3A_2 = vector.load %arg1[%get3A, %get3A_0, %get3A_1] : memref<2x1000x128xf32, #tpu.memory_space<vmem>>, vector<1x1000x128xf32>
    %get3A_3 = vector.shape_cast %get3A_2 : vector<1x1000x128xf32> to vector<1000x128xf32>
    %get3A_4 = arith.constant 1 : index
    %get3A_5 = arith.constant 0 : index
    %get3A_6 = arith.constant 0 : index
    %get3A_7 = vector.load %arg1[%get3A_4, %get3A_5, %get3A_6] : memref<2x1000x128xf32, #tpu.memory_space<vmem>>, vector<1x1000x128xf32>
    %get3A_8 = vector.shape_cast %get3A_7 : vector<1x1000x128xf32> to vector<1000x128xf32>
    %add3A = arith.addf %get3A_3, %get3A_8 : vector<1000x128xf32>
    %get3A_9 = arith.constant 0 : index
    %get3A_10 = arith.constant 0 : index
    %get3A_11 = vector.load %arg2[%get3A_9, %get3A_10] : memref<1000x32xf32, #tpu.memory_space<vmem>>, vector<1000x32xf32>
    %reduce_sum3A = arith.constant dense<0.000000e+00> : vector<1000xf32>
    %reduce_sum3A_12 = vector.multi_reduction <add>, %get3A_11, %reduce_sum3A [1] : vector<1000x32xf32> to vector<1000xf32>
    %max3A = arith.constant 1.000000e+00 : f32
    %max3A_13 = vector.broadcast %max3A : f32 to vector<1000xf32>
    %max3A_14 = arith.maximumf %reduce_sum3A_12, %max3A_13 : vector<1000xf32>
    %broadcast_in_dim3A = vector.shape_cast %max3A_14 : vector<1000xf32> to vector<1000x1xf32>
    %div3A = vector.broadcast %broadcast_in_dim3A : vector<1000x1xf32> to vector<1000x128xf32>
    %div3A_15 = arith.divf %add3A, %div3A : vector<1000x128xf32>
    %swap3A = arith.constant 0 : index
    %swap3A_16 = arith.constant 0 : index
    %swap3A_17 = vector.load %arg3[%swap3A, %swap3A_16] : memref<1000x128xf32, #tpu.memory_space<vmem>>, vector<1000x128xf32>
    tpu.vector_store %arg3[%swap3A, %swap3A_16], %div3A_15 {strides = array<i32>} : memref<1000x128xf32, #tpu.memory_space<vmem>>, vector<1000x128xf32>,
    return
  }
  func.func @transform_0(%arg0: i32) -> (i32, i32, i32) {
    %c0_i32 = arith.constant 0 : i32
    %c0_i32_0 = arith.constant 0 : i32
    %c0_i32_1 = arith.constant 0 : i32
    return %c0_i32, %arg0, %c0_i32_0 : i32, i32, i32
  }
  func.func @transform_1(%arg0: i32) -> (i32, i32) {
    %c0_i32 = arith.constant 0 : i32
    %c0_i32_0 = arith.constant 0 : i32
    return %arg0, %c0_i32 : i32, i32
  }
  func.func @transform_2(%arg0: i32) -> (i32, i32) {
    %c0_i32 = arith.constant 0 : i32
    %c0_i32_0 = arith.constant 0 : i32
    return %arg0, %c0_i32 : i32, i32
  }
}

</mosaic_0001>

<sc_bundles>
// kernel: kernel.4.cloned.1.call-start
scs
__scs_entry_jumppad:
0x0: {  	(pc) =	sbr.rel $0x88, $3  }
0x1: {  	(tag) =	ssettag $0x0;
	lr =	simm.s32 $0x1  }
0x2: {  	[smem:$0x3F9F] =	sst lr;
	_ =	strace $0xD0000000  }
0x3: {  	_ = 	snop  }
0x4: {  	_ = 	snop  }
0x5: {  	_ = 	snop  }
0x6: {  	_ = 	snop  }
0x7: {  	_ = 	snop  }
__scs_overlays_trampoline_lowered:
0x8: {  	[smem:$0x3FAE] =	sst s0  }
0x9: {  	[smem:$0x3FAF] =	sst s1  }
0xa: {  	[smem:$0x3FB0] =	sst s2  }
0xb: {  	[smem:$0x3FB1] =	sst s3  }
0xc: {  	[smem:$0x3FB2] =	sst s4  }
0xd: {  	[smem:$0x3FB3] =	sst s5  }
0xe: {  	[smem:$0x3FB4] =	sst s6  }
0xf: {  	[smem:$0x3FB5] =	sst s7  }
0x10: {  	[smem:$0x3FB6] =	sst s8  }
0x11: {  	[smem:$0x3FB7] =	sst s9;
	s0 =	simm.s32 @!p0 $0x0  }
0x12: {  	s1 =	sld [smem:$0x3F9D];
	s0 =	simm.s32 @p0 $0x1  }
0x13: {  	[smem:$0x3FB8] =	sst s0;
	s0 =	simm.s32 @!p1 $0x0  }
0x14: {  	s2 =	sld [smem:$0x3F9C];
	s0 =	simm.s32 @p1 $0x1  }
0x15: {  	[smem:$0x3FB9] =	sst s0;
	s0 =	simm.s32 @!p2 $0x0  }
0x16: {  	s3 =	sld [smem:$0x3FDB];
	s0 =	simm.s32 @p2 $0x1  }
0x17: {  	s4 =	simm.s32 $0x1BF5;
	[smem:$0x3FBB] =	sst s0  }
0x18: {  	s0 =	sld [smem:$0x3F9E];
	_ =	swait.ge [sflag:s4], $0x0  }
0x19: {  	s7 =	sld [smem:$0x3F9F]  }
0x1a: {  	s8 =	sadd.s32 $0xFFFFE003, lr  }
0x1b: {  	s9 =	sadd.s32 $0xFFFFFEF7, lr;
	s5 =	simm.s32 $0xFFFFFFFF;
	p2 =	slt.u32 s8, $0xFFFFF086  }
0x1c: {  	p1 =	slt.u32 s9, $0xF7A;
	s5 =	simm.s32 @!p2 $0x0  }
0x1d: {  	s5 =	simm.s32 @p1 $0x1;
	p0 =	seq.s32 s7, s2  }
0x1e: {  	s7 =	smul.u32 @!p0 $0xF7A, s2;
	p2 =	seq.s32 @!p0 s5, $0x0  }
0x1f: {  	s9 =	smul.u32 $0xF7A, s1;
	s8 =	simm.s32 @!p0 $0x1BF5;
	p2 =	por !p2, p0  }
0x20: {  	[sflag:s8] =	ssyncset.s32 @!p0 $0xFFFFF086;
	s6 =	sadd.s32 @!p0 s3, s7;
	s7 =	simm.s32 @!p0 $0x108  }
0x21: {  	s3 =	sadd.s32 s3, s9;
	s6 =	sadd.s32 @!p0 $0x88, s6;
	s7 =	simm.s32 @p2 $0x1082  }
0x22: {  	[simem:s7], [sflag:s8] =	dma.local @!p0 [hbm:s6], $0xF7A  }
0x23: {  	s9 =	sor.u32 $0xD0000000, s2;
	s6 =	simm.s32 $0x108;
	_ =	swait.ge @!p0 [sflag:s8], $0x0  }
0x24: {  	s3 =	sadd.s32 $0x88, s3;
	s6 =	simm.s32 @!p1 $0x1082;
	[sflag:s4] =	ssyncset.s32 $0xFFFFF086  }
0x25: {  	[simem:s6], [sflag:s4] =	dma.local [hbm:s3], $0xF7A  }
0x26: {  	[smem:$0x3F9F] =	sst s1;
	(tag) =	ssettag s2;
	_ =	strace s9  }
0x27: {  	s1 =	sld [smem:$0x3FAF]  }
0x28: {  	s2 =	sld [smem:$0x3FB0]  }
0x29: {  	s4 =	sld [smem:$0x3FB2]  }
0x2a: {  	p0 =	seq.s32 s5, $0x0;
	s5 =	sld [smem:$0x3FB3]  }
0x2b: {  	s6 =	sld [smem:$0x3FB4]  }
0x2c: {  	s7 =	sld [smem:$0x3FB5]  }
0x2d: {  	s3 =	simm.s32 $0x108;
	s8 =	sld [smem:$0x3FB6]  }
0x2e: {  	s3 =	simm.s32 @!p0 $0x1082;
	s9 =	sld [smem:$0x3FB7]  }
0x2f: {  	lr =	sadd.s32 s0, s3;
	s0 =	sld [smem:$0x3FAE]  }
0x30: {  	s3 =	sld [smem:$0x3FB1]  }
0x31: {  	[smem:$0x3FBA] =	sst s10  }
0x32: {  	s10 =	sld [smem:$0x3FB8];
	_ =	sdelay $0x3  }
0x33: {  	p0 =	seq.s32 s10, $0x1;
	s10 =	sld [smem:$0x3FBA];
	_ =	sdelay $0x3  }
0x34: {  	[smem:$0x3FBA] =	sst s10  }
0x35: {  	s10 =	sld [smem:$0x3FB9];
	_ =	sdelay $0x3  }
0x36: {  	p1 =	seq.s32 s10, $0x1;
	s10 =	sld [smem:$0x3FBA];
	_ =	sdelay $0x3  }
0x37: {  	[smem:$0x3FBA] =	sst s10  }
0x38: {  	s10 =	sld [smem:$0x3FBB]  }
0x39: {  	_ = 	snop;
	(pc) =	sbr.ind lr, $3  }
0x3a: {  	_ = 	snop  }
0x3b: {  	_ = 	snop  }
0x3c: {  	p2 =	seq.s32 s10, $0x1;
	s10 =	sld [smem:$0x3FBA]  }
0x3d: {  	_ =	shalt  }
0x3e: {  	_ =	shalt  }
0x3f: {  	_ =	shalt  }
0x40: {  	_ =	shalt  }
0x41: {  	_ =	shalt  }
0x42: {  	_ =	shalt  }
0x43: {  	_ =	shalt  }
0x44: {  	_ =	shalt  }
0x45: {  	_ =	shalt  }
0x46: {  	_ =	shalt  }
0x47: {  	_ =	shalt  }
0x48: {  	_ =	shalt  }
0x49: {  	_ =	shalt  }
0x4a: {  	_ =	shalt  }
0x4b: {  	_ =	shalt  }
0x4c: {  	_ =	shalt  }
0x4d: {  	_ =	shalt  }
0x4e: {  	_ =	shalt  }
0x4f: {  	_ =	shalt  }
0x50: {  	_ =	shalt  }
0x51: {  	_ =	shalt  }
0x52: {  	_ =	shalt  }
0x53: {  	_ =	shalt  }
0x54: {  	_ =	shalt  }
0x55: {  	_ =	shalt  }
0x56: {  	_ =	shalt  }
0x57: {  	_ =	shalt  }
0x58: {  	_ =	shalt  }
0x59: {  	_ =	shalt  }
0x5a: {  	_ =	shalt  }
0x5b: {  	_ =	shalt  }
0x5c: {  	_ =	shalt  }
0x5d: {  	_ =	shalt  }
0x5e: {  	_ =	shalt  }
0x5f: {  	_ =	shalt  }
0x60: {  	_ =	shalt  }
0x61: {  	_ =	shalt  }
0x62: {  	_ =	shalt  }
0x63: {  	_ =	shalt  }
0x64: {  	_ =	shalt  }
0x65: {  	_ =	shalt  }
0x66: {  	_ =	shalt  }
0x67: {  	_ =	shalt  }
0x68: {  	_ =	shalt  }
0x69: {  	_ =	shalt  }
0x6a: {  	_ =	shalt  }
0x6b: {  	_ =	shalt  }
0x6c: {  	_ =	shalt  }
0x6d: {  	_ =	shalt  }
0x6e: {  	_ =	shalt  }
0x6f: {  	_ =	shalt  }
0x70: {  	_ =	shalt  }
0x71: {  	_ =	shalt  }
0x72: {  	_ =	shalt  }
0x73: {  	_ =	shalt  }
0x74: {  	_ =	shalt  }
0x75: {  	_ =	shalt  }
0x76: {  	_ =	shalt  }
0x77: {  	_ =	shalt  }
0x78: {  	_ =	shalt  }
0x79: {  	_ =	shalt  }
0x7a: {  	_ =	shalt  }
0x7b: {  	_ =	shalt  }
0x7c: {  	_ =	shalt  }
0x7d: {  	_ =	shalt  }
0x7e: {  	_ =	shalt  }
0x7f: {  	_ =	shalt  }
0x80: {  	_ =	shalt  }
0x81: {  	_ =	shalt  }
0x82: {  	_ =	shalt  }
0x83: {  	_ =	shalt  }
0x84: {  	_ =	shalt  }
0x85: {  	_ =	shalt  }
0x86: {  	_ =	shalt  }
0x87: {  	_ =	shalt  }
.Lfunc_end0:
.L_simem_size_0:
called_computation_lowered:
.L_overlay_start_0:
0x88: {  	s2 =	sld [smem:$0x3FD9]  }
0x89: {  	s3 =	sld [smem:$0x3FFE];
	_ =	sdelay $0x1  }
0x8a: {  	s1 =	srdreg.scid  }
0x8b: {  	s0 =	sand.u32 $0x1, s1  }
0x8c: {  	s17 =	sshll.u32 s0, $0xA;
	s2 =	sadd.s32 s3, s2  }
0x8d: {  	s2 =	sadd.s32 s2, s17  }
0x8e: {  	[smem:$0x3FC6] =	sst s2  }
0x8f: {  	_ = 	snop  }
0x90: {  	s2 =	sld [smem:$0x3FC9]  }
0x91: {  	s18 =	sld [smem:$0x3FD0];
	(tm) =	ssettm $0x1  }
0x92: {  	s4 =	sld [smem:$0x3FFB];
	_ =	sdelay $0x3  }
0x93: {  	_ =	strace s4  }
0x94: {  	s4 =	sld [smem:$0x3FFC];
	_ =	sdelay $0x3  }
0x95: {  	_ =	strace s4  }
0x96: {  	s4 =	sld [smem:$0x3FFD];
	_ =	sdelay $0x3  }
0x97: {  	_ =	strace s4  }
0x98: {  	_ =	strace $0x8FFFFFFF  }
0x99: {  	s19 =	sld [smem:$0x3FDB];
	_ =	sdelay $0x1  }
0x9a: {  	s5 =	simm.s32 $_scs_section_size  }
0x9b: {  	s6 =	simm.s32 $_size__tile_overlayer_lowered;
	s7 =	simm.s32 $_tile_overlayer_lowered  }
0x9c: {  	s22 =	simm.s32 $0x1BFF;
	s21 =	sshll.u32 s7, $0x1;
	s4 =	sadd.s32 s5, s19  }
0x9d: {  	s8 =	simm.s32 $0x0;
	s20 =	sshll.u32 s6, $0x1;
	s6 =	sadd.s32 s21, s4  }
0x9e: {  	[timem:s8], [sflag:s22] =	dma.local [hbm:s6], s20  }
0x9f: {  	_ =	swait.ge [sflag:s22], s20  }
0xa0: {  	s5 =	ssub.s32 $0x0, s20;
	[sflag:s22] =	ssyncset.done $0x0  }
0xa1: {  	[sflag:s22] =	ssyncadd.s32 s5;
	_ =	sdelay $0x1  }
0xa2: {  	s23 =	simm.s32 $0x1B8B  }
0xa3: {  	_ =	swait.ge [sflag:s23], $0x1  }
0xa4: {  	[sflag:s23] =	ssyncset.done $0x0  }
0xa5: {  	s25 =	simm.s32 $0x1B8E;
	s24 =	sld [smem:$0x3FFE];
	[sflag:s23] =	ssyncadd.s32 $0xFFFFFFFF  }
0xa6: {  	s26 =	simm.s32 $execute0_lowered;
	[smem:$0x3FD2] =	sst s25  }
0xa7: {  	s6 =	sshll.u32 s26, $0x1;
	_ =	strace $0x80000046;
	[dreg:$0x1] =	wrdreg $0xFFFFFFFF  }
0xa8: {  	s28 =	simm.s32 $_size_execute0_lowered;
	s4 =	sadd.s32 s4, s6;
	[dreg:$0x0] =	wrdreg $0x0  }
0xa9: {  	s6 =	sshll.u32 s28, $0x1;
	[dreg:$0x2] =	wrdreg s4  }
0xaa: {  	[dreg:$0x3] =	wrdreg s6  }
0xab: {  	[dreg:$0x4] =	wrdreg $0xC0  }
0xac: {  	_ =	task [dreg:s8], $0x5FFFF  }
0xad: {  	[dreg:$0x1] =	wrdreg $0xFFFFFFFF  }
0xae: {  	[dreg:$0x0] =	wrdreg $0x60  }
0xaf: {  	[dreg:$0x2] =	wrdreg s2  }
0xb0: {  	[dreg:$0x3] =	wrdreg s18  }
0xb1: {  	[dreg:$0x4] =	wrdreg s24  }
0xb2: {  	[dreg:$0x5] =	wrdreg $0xAF800  }
0xb3: {  	[dreg:$0x6] =	wrdreg $0x9  }
0xb4: {  	_ =	task.clear_ibuf [dreg:s8], $0x7FFFF;
	_ =	strace $0x90000046  }
0xb5: {  	s29 =	simm.s32 $0x9;
	_ =	strace $0x80000048  }
0xb6: {  	_ =	swait.ge [sflag:s29], $0x1  }
0xb7: {  	[sflag:s29] =	ssyncadd.s32 $0xFFFFFFFF  }
0xb8: {  	_ =	strace $0x90000048  }
0xb9: {  	_ =	sfence  }
0xba: {  	s30 =	sld [smem:$0x0];
	_ =	sdelay $0x2  }
0xbb: {  	s31 =	sshll.u32 s1, $0xD;
	s1 =	sshrl.u32 s1, $0x2  }
0xbc: {  	s3 =	sand.u32 $0x4000, s31;
	s1 =	sadd.s32 s1, s30  }
0xbd: {  	s0 =	sor.u32 s3, s0;
	s1 =	sshll.u32 s1, $0x11  }
0xbe: {  	s0 =	sor.u32 s1, s0  }
0xbf: {  	s0 =	sadd.s32 $0x8F2B, s0  }
0xc0: {  	[sflag:s0] =	ssyncadd.remote.s32 $0x1  }
0xc1: {  	_ =	sfence.sel $0xFFFF  }
0xc2: {  	[dreg:$0x0] =	wrdreg $0xFFFFFFFF;
	(pc) =	sbr.abs _section_cstart, $3  }
0xc3: {  	[dreg:$0x1] =	wrdreg $0xFFFFFFFF  }
0xc4: {  	_ =	task.clear_ibuf [dreg:s8], $0x2FFFF;
	_ =	strace $0x9FFFFFFF  }
0xc5: {  	(tm) =	ssettm $0x7FFFFFFF  }
tec
execute0_lowered:
.L_overlay_start_1:
0x0: {  	(tag) =	ssettag $0x1  }
0x1: {  	s1 =	rddreg [dreg:$0x0]  }
0x2: {  	s0 =	rddreg [dreg:$0x1]  }
0x3: {  	s3 =	rddreg [dreg:$0x2]  }
0x4: {  	s2 =	rddreg [dreg:$0x3]  }
0x5: {  	s4 =	srdreg.scid;
	s12 =	stileid.u32;
	s13 =	simm.s32 $0x3  }
0x6: {  	s14 =	simm.s32 $0x400;
	s15 =	simm.s32 $0x80;
	s16 =	simm.s32 $0x800  }
0x7: {  	s28 =	simm.s32 $0x280;
	s29 =	simm.s32 $0x600;
	s30 =	simm.s32 $0x300  }
0x8: {  	s31 =	simm.s32 $0x680;
	s5 =	sand.u32 $0x1, s4;
	s7 =	smul.u32 $0x2800, s12  }
0x9: {  	s4 =	simm.s32 $0x0;
	s17 =	smul.u32 $0x13C00, s12;
	s19 =	sshll.u32 s12, $0x7  }
0xa: {  	s20 =	sadd.s32 $0xA200, s3;
	s21 =	smul.u32 $0x4F000, s12;
	s24 =	sshll.u32 s12, $0x6  }
0xb: {  	s6 =	smul.u32 $0x28000, s5;
	[smem:$0x7FF] =	sst s4;
	s8 =	sshll.u32 s5, $0x4  }
0xc: {  	s9 =	smul.u32 $0x13C000, s5;
	s5 =	ssub.s32 $0x2, s5;
	_ =	strace $0x80000047  }
0xd: {  	s8 =	sor.u32 s12, s8;
	[dreg:$0x5] =	wrdreg s20;
	s22 =	sshrl.u32 s5, $0x1  }
0xe: {  	s23 =	sshrl.u32 s21, $0x2;
	s20 =	simm.s32 $0x100;
	s21 =	simm.s32 $0x2  }
0xf: {  	s6 =	sadd.s32 s7, s6;
	s8 =	sshrl.u32 s8, $0x3;
	s7 =	sadd.s32 s17, s9  }
0x10: {  	s5 =	ssub.s32 s5, s22;
	s25 =	sadd.s32 s23, s2;
	s17 =	simm.s32 $0x4800  }
0x11: {  	s22 =	simm.s32 $0x480;
	s23 =	simm.s32 $0x180;
	s11 =	sshrl.u32 s6, $0x3  }
0x12: {  	s18 =	smul.u32 $0x13C00, s8;
	s8 =	sand.u32 $0x380, s19;
	s7 =	sshrl.u32 s7, $0x3  }
0x13: {  	s26 =	smax.u32 s5, $0x1;
	s12 =	sshrl.u32 s25, $0x3;
	s19 =	simm.s32 $0x8800  }
0x14: {  	s25 =	simm.s32 $0x200;
	s5 =	simm.s32 $0x780;
	s10 =	sadd.s32 s11, s3  }
0x15: {  	s7 =	sadd.s32 s7, s3;
	[dreg:$0x8] =	wrdreg s26;
	s11 =	sadd.s32 s11, s0  }
0x16: {  	s26 =	simm.s32 $0x580;
	s0 =	simm.s32 $0x380;
	s6 =	sor.u32 s8, s18  }
0x17: {  	s7 =	sadd.s32 $0xCA00, s7;
	s10 =	sadd.s32 $0x200, s10;
	s6 =	sshrl.u32 s6, $0x3  }
0x18: {  	s18 =	simm.s32 $0x1;
	[dreg:$0x6] =	wrdreg s7;
	s3 =	sadd.s32 s6, s3  }
0x19: {  	s7 =	simm.s32 $0x0;
	s6 =	sor.u32 $0x1C03, s24;
	s3 =	sadd.s32 $0x5BA00, s3  }
0x1a: {  	v0 =	vimm.f32 $0.0e+00;
	v1 =	vimm.f32 $1.000000000e+00;
	s24 =	simm.s32 $0x500;
	[dreg:$0x7] =	wrdreg s3;
	s3 =	simm.s32 $0x700  }
.LBB2_1:
0x1b: {  	s8 =	simm.s32 $0x40;
	s9 =	simm.s32 $0x0  }
.LBB2_2:
0x1c: {  	p0 =	sne.s32 s8, $0x9DC0;
	[tilespmem:s9+$0x8800] =	vst v0;
	s9 =	smov.u32 s8;
	s8 =	sadd.s32 $0x40, s8  }
.Ltmp0:
0x1d: {  	(pc) =	sbr.rel @p0 .LBB2_2-.Ltmp0, $2  }
0x1e: {  	_ =	sdelay $0x2  }
0x1f: {  	s9 =	sshra.s32 s9, $0x2  }
0x20: {  	[tilespmem:s9+$0x8800] =	vst v0;
	s8 =	rddreg [dreg:$0x5]  }
0x21: {  	[spmem:s12], [sflag:s6] =	dma.local [hbm:s8], $0x2780  }
0x22: {  	_ =	swait.ge [sflag:s13], $0x2780  }
0x23: {  	[sflag:s13] =	ssyncset.done $0x0  }
0x24: {  	[sflag:s13] =	ssyncadd.s32 $0xFFFFD880  }
0x25: {  	s8 =	simm.s32 $0x0;
	[bflag:$0x0] =	sbarrier.arrive $0xFFFF  }
.LBB2_4:
0x26: {  	s9 =	sadd.s32 s8, s11  }
0x27: {  	[tilespmem:s4], [sflag:$0x3] =	stream.linear.gather [hbm4b:s9+s4], $0x400, $0x38;
	[tilespmem:$0x1EB80] =	vst v63  }
0x28: {  	_ =	swait.ge [sflag:s13], $0x400  }
0x29: {  	[sflag:s13] =	ssyncset.done $0x0  }
0x2a: {  	s9 =	sadd.s32 s8, s10;
	[sflag:s13] =	ssyncadd.s32 $0xFFFFFC00  }
0x2b: {  	[tilespmem:s14], [sflag:$0x3] =	stream.linear.gather [hbm4b:s9+s4], $0x400, $0x38;
	[tilespmem:$0x1EB80] =	vst v63  }
0x2c: {  	_ =	swait.ge [sflag:s13], $0x400  }
0x2d: {  	[sflag:s13] =	ssyncset.done $0x0  }
0x2e: {  	[sflag:s13] =	ssyncadd.s32 $0xFFFFFC00  }
0x2f: {  	[tilespmem:s16], [sflag:$0x1] =	stream.indirect.gather [hbm4b:s1+s15], $0x80, s4, s15, $0xb8;
	[tilespmem:$0x1EB80] =	vst v63  }
0x30: {  	_ = 	snop  }
0x31: {  	[tilespmem:s17], [sflag:$0x2] =	stream.indirect.gather [hbm4b:s1+s15], $0x80, s15, s15, $0xb8;
	[tilespmem:$0x1EB80] =	vst v63  }
0x32: {  	_ =	swait.ge [sflag:s18], $0x4000  }
0x33: {  	[sflag:s18] =	ssyncset.done $0x0  }
0x34: {  	[sflag:s18] =	ssyncadd.s32 $0xFFFFC000  }
0x35: {  	[spmem:s2] =	stream.indirect.scatter.add.f32 [tilespmem:s16], [sflag:$0x3], $0x80, s14, s15, $0xb8;
	[tilespmem:$0x1EB80] =	vst v63  }
0x36: {  	_ =	swait.ge [sflag:s13], $0x4000  }
0x37: {  	[sflag:s13] =	ssyncset.done $0x0  }
0x38: {  	[sflag:s13] =	ssyncadd.s32 $0xFFFFC000  }
0x39: {  	v2 =	vld [tilespmem:$0x400];
	_ =	sdelay $0x7  }
0x3a: {  	[tilespmem:v2+s19+$0x0] =	vst.idx.add.f32.msk $0xffff, v1  }
0x3b: {  	v2 =	vld [tilespmem:$0x410];
	_ =	sdelay $0x7  }
0x3c: {  	[tilespmem:v2+s19+$0x0] =	vst.idx.add.f32.msk $0xffff, v1  }
0x3d: {  	v2 =	vld [tilespmem:$0x420];
	_ =	sdelay $0x7  }
0x3e: {  	[tilespmem:v2+s19+$0x0] =	vst.idx.add.f32.msk $0xffff, v1  }
0x3f: {  	v2 =	vld [tilespmem:$0x430];
	_ =	sdelay $0x7  }
0x40: {  	[tilespmem:v2+s19+$0x0] =	vst.idx.add.f32.msk $0xffff, v1  }
0x41: {  	v2 =	vld [tilespmem:$0x440];
	_ =	sdelay $0x7  }
0x42: {  	[tilespmem:v2+s19+$0x0] =	vst.idx.add.f32.msk $0xffff, v1  }
0x43: {  	v2 =	vld [tilespmem:$0x450];
	_ =	sdelay $0x7  }
0x44: {  	[tilespmem:v2+s19+$0x0] =	vst.idx.add.f32.msk $0xffff, v1  }
0x45: {  	v2 =	vld [tilespmem:$0x460];
	_ =	sdelay $0x7  }
0x46: {  	[tilespmem:v2+s19+$0x0] =	vst.idx.add.f32.msk $0xffff, v1  }
0x47: {  	v2 =	vld [tilespmem:$0x470];
	_ =	sdelay $0x7  }
0x48: {  	[tilespmem:v2+s19+$0x0] =	vst.idx.add.f32.msk $0xffff, v1  }
0x49: {  	[tilespmem:s16], [sflag:$0x1] =	stream.indirect.gather [hbm4b:s1+s15], $0x80, s20, s15, $0xb8;
	[tilespmem:$0x1EB80] =	vst v63  }
0x4a: {  	_ =	swait.ge [sflag:s21], $0x4000  }
0x4b: {  	[sflag:s21] =	ssyncset.done $0x0  }
0x4c: {  	[sflag:s21] =	ssyncadd.s32 $0xFFFFC000  }
0x4d: {  	[spmem:s2] =	stream.indirect.scatter.add.f32 [tilespmem:s17], [sflag:$0x3], $0x80, s22, s15, $0xb8;
	[tilespmem:$0x1EB80] =	vst v63  }
0x4e: {  	_ =	swait.ge [sflag:s13], $0x4000  }
0x4f: {  	[sflag:s13] =	ssyncset.done $0x0  }
0x50: {  	[sflag:s13] =	ssyncadd.s32 $0xFFFFC000  }
0x51: {  	v2 =	vld [tilespmem:$0x480];
	_ =	sdelay $0x7  }
0x52: {  	[tilespmem:v2+s19+$0x0] =	vst.idx.add.f32.msk $0xffff, v1  }
0x53: {  	v2 =	vld [tilespmem:$0x490];
	_ =	sdelay $0x7  }
0x54: {  	[tilespmem:v2+s19+$0x0] =	vst.idx.add.f32.msk $0xffff, v1  }
0x55: {  	v2 =	vld [tilespmem:$0x4A0];
	_ =	sdelay $0x7  }
0x56: {  	[tilespmem:v2+s19+$0x0] =	vst.idx.add.f32.msk $0xffff, v1  }
0x57: {  	v2 =	vld [tilespmem:$0x4B0];
	_ =	sdelay $0x7  }
0x58: {  	[tilespmem:v2+s19+$0x0] =	vst.idx.add.f32.msk $0xffff, v1  }
0x59: {  	v2 =	vld [tilespmem:$0x4C0];
	_ =	sdelay $0x7  }
0x5a: {  	[tilespmem:v2+s19+$0x0] =	vst.idx.add.f32.msk $0xffff, v1  }
0x5b: {  	v2 =	vld [tilespmem:$0x4D0];
	_ =	sdelay $0x7  }
0x5c: {  	[tilespmem:v2+s19+$0x0] =	vst.idx.add.f32.msk $0xffff, v1  }
0x5d: {  	v2 =	vld [tilespmem:$0x4E0];
	_ =	sdelay $0x7  }
0x5e: {  	[tilespmem:v2+s19+$0x0] =	vst.idx.add.f32.msk $0xffff, v1  }
0x5f: {  	v2 =	vld [tilespmem:$0x4F0];
	_ =	sdelay $0x7  }
0x60: {  	[tilespmem:v2+s19+$0x0] =	vst.idx.add.f32.msk $0xffff, v1  }
0x61: {  	[tilespmem:s17], [sflag:$0x2] =	stream.indirect.gather [hbm4b:s1+s15], $0x80, s23, s15, $0xb8;
	[tilespmem:$0x1EB80] =	vst v63  }
0x62: {  	_ =	swait.ge [sflag:s18], $0x4000  }
0x63: {  	[sflag:s18] =	ssyncset.done $0x0  }
0x64: {  	[sflag:s18] =	ssyncadd.s32 $0xFFFFC000  }
0x65: {  	[spmem:s2] =	stream.indirect.scatter.add.f32 [tilespmem:s16], [sflag:$0x3], $0x80, s24, s15, $0xb8;
	[tilespmem:$0x1EB80] =	vst v63  }
0x66: {  	_ =	swait.ge [sflag:s13], $0x4000  }
0x67: {  	[sflag:s13] =	ssyncset.done $0x0  }
0x68: {  	[sflag:s13] =	ssyncadd.s32 $0xFFFFC000  }
0x69: {  	v2 =	vld [tilespmem:$0x500];
	_ =	sdelay $0x7  }
0x6a: {  	[tilespmem:v2+s19+$0x0] =	vst.idx.add.f32.msk $0xffff, v1  }
0x6b: {  	v2 =	vld [tilespmem:$0x510];
	_ =	sdelay $0x7  }
0x6c: {  	[tilespmem:v2+s19+$0x0] =	vst.idx.add.f32.msk $0xffff, v1  }
0x6d: {  	v2 =	vld [tilespmem:$0x520];
	_ =	sdelay $0x7  }
0x6e: {  	[tilespmem:v2+s19+$0x0] =	vst.idx.add.f32.msk $0xffff, v1  }
0x6f: {  	v2 =	vld [tilespmem:$0x530];
	_ =	sdelay $0x7  }
0x70: {  	[tilespmem:v2+s19+$0x0] =	vst.idx.add.f32.msk $0xffff, v1  }
0x71: {  	v2 =	vld [tilespmem:$0x540];
	_ =	sdelay $0x7  }
0x72: {  	[tilespmem:v2+s19+$0x0] =	vst.idx.add.f32.msk $0xffff, v1  }
0x73: {  	v2 =	vld [tilespmem:$0x550];
	_ =	sdelay $0x7  }
0x74: {  	[tilespmem:v2+s19+$0x0] =	vst.idx.add.f32.msk $0xffff, v1  }
0x75: {  	v2 =	vld [tilespmem:$0x560];
	_ =	sdelay $0x7  }
0x76: {  	[tilespmem:v2+s19+$0x0] =	vst.idx.add.f32.msk $0xffff, v1  }
0x77: {  	v2 =	vld [tilespmem:$0x570];
	_ =	sdelay $0x7  }
0x78: {  	[tilespmem:v2+s19+$0x0] =	vst.idx.add.f32.msk $0xffff, v1  }
0x79: {  	[tilespmem:s16], [sflag:$0x1] =	stream.indirect.gather [hbm4b:s1+s15], $0x80, s25, s15, $0xb8;
	[tilespmem:$0x1EB80] =	vst v63  }
0x7a: {  	_ =	swait.ge [sflag:s21], $0x4000  }
0x7b: {  	[sflag:s21] =	ssyncset.done $0x0  }
0x7c: {  	[sflag:s21] =	ssyncadd.s32 $0xFFFFC000  }
0x7d: {  	[spmem:s2] =	stream.indirect.scatter.add.f32 [tilespmem:s17], [sflag:$0x3], $0x80, s26, s15, $0xb8;
	[tilespmem:$0x1EB80] =	vst v63  }
0x7e: {  	_ =	swait.ge [sflag:s13], $0x4000  }
0x7f: {  	[sflag:s13] =	ssyncset.done $0x0  }
0x80: {  	[sflag:s13] =	ssyncadd.s32 $0xFFFFC000  }
0x81: {  	v2 =	vld [tilespmem:$0x580];
	_ =	sdelay $0x7  }
0x82: {  	[tilespmem:v2+s19+$0x0] =	vst.idx.add.f32.msk $0xffff, v1  }
0x83: {  	v2 =	vld [tilespmem:$0x590];
	_ =	sdelay $0x7  }
0x84: {  	[tilespmem:v2+s19+$0x0] =	vst.idx.add.f32.msk $0xffff, v1  }
0x85: {  	v2 =	vld [tilespmem:$0x5A0];
	_ =	sdelay $0x7  }
0x86: {  	[tilespmem:v2+s19+$0x0] =	vst.idx.add.f32.msk $0xffff, v1  }
0x87: {  	v2 =	vld [tilespmem:$0x5B0];
	_ =	sdelay $0x7  }
0x88: {  	[tilespmem:v2+s19+$0x0] =	vst.idx.add.f32.msk $0xffff, v1  }
0x89: {  	v2 =	vld [tilespmem:$0x5C0];
	_ =	sdelay $0x7  }
0x8a: {  	[tilespmem:v2+s19+$0x0] =	vst.idx.add.f32.msk $0xffff, v1  }
0x8b: {  	v2 =	vld [tilespmem:$0x5D0];
	_ =	sdelay $0x7  }
0x8c: {  	[tilespmem:v2+s19+$0x0] =	vst.idx.add.f32.msk $0xffff, v1  }
0x8d: {  	v2 =	vld [tilespmem:$0x5E0];
	_ =	sdelay $0x7  }
0x8e: {  	[tilespmem:v2+s19+$0x0] =	vst.idx.add.f32.msk $0xffff, v1  }
0x8f: {  	v2 =	vld [tilespmem:$0x5F0];
	_ =	sdelay $0x7  }
0x90: {  	[tilespmem:v2+s19+$0x0] =	vst.idx.add.f32.msk $0xffff, v1  }
0x91: {  	[tilespmem:s17], [sflag:$0x2] =	stream.indirect.gather [hbm4b:s1+s15], $0x80, s28, s15, $0xb8;
	[tilespmem:$0x1EB80] =	vst v63  }
0x92: {  	_ =	swait.ge [sflag:s18], $0x4000  }
0x93: {  	[sflag:s18] =	ssyncset.done $0x0  }
0x94: {  	[sflag:s18] =	ssyncadd.s32 $0xFFFFC000  }
0x95: {  	[spmem:s2] =	stream.indirect.scatter.add.f32 [tilespmem:s16], [sflag:$0x3], $0x80, s29, s15, $0xb8;
	[tilespmem:$0x1EB80] =	vst v63  }
0x96: {  	_ =	swait.ge [sflag:s13], $0x4000  }
0x97: {  	[sflag:s13] =	ssyncset.done $0x0  }
0x98: {  	[sflag:s13] =	ssyncadd.s32 $0xFFFFC000  }
0x99: {  	v2 =	vld [tilespmem:$0x600];
	_ =	sdelay $0x7  }
0x9a: {  	[tilespmem:v2+s19+$0x0] =	vst.idx.add.f32.msk $0xffff, v1  }
0x9b: {  	v2 =	vld [tilespmem:$0x610];
	_ =	sdelay $0x7  }
0x9c: {  	[tilespmem:v2+s19+$0x0] =	vst.idx.add.f32.msk $0xffff, v1  }
0x9d: {  	v2 =	vld [tilespmem:$0x620];
	_ =	sdelay $0x7  }
0x9e: {  	[tilespmem:v2+s19+$0x0] =	vst.idx.add.f32.msk $0xffff, v1  }
0x9f: {  	v2 =	vld [tilespmem:$0x630];
	_ =	sdelay $0x7  }
0xa0: {  	[tilespmem:v2+s19+$0x0] =	vst.idx.add.f32.msk $0xffff, v1  }
0xa1: {  	v2 =	vld [tilespmem:$0x640];
	_ =	sdelay $0x7  }
0xa2: {  	[tilespmem:v2+s19+$0x0] =	vst.idx.add.f32.msk $0xffff, v1  }
0xa3: {  	v2 =	vld [tilespmem:$0x650];
	_ =	sdelay $0x7  }
0xa4: {  	[tilespmem:v2+s19+$0x0] =	vst.idx.add.f32.msk $0xffff, v1  }
0xa5: {  	v2 =	vld [tilespmem:$0x660];
	_ =	sdelay $0x7  }
0xa6: {  	[tilespmem:v2+s19+$0x0] =	vst.idx.add.f32.msk $0xffff, v1  }
0xa7: {  	v2 =	vld [tilespmem:$0x670];
	_ =	sdelay $0x7  }
0xa8: {  	[tilespmem:v2+s19+$0x0] =	vst.idx.add.f32.msk $0xffff, v1  }
0xa9: {  	[tilespmem:s16], [sflag:$0x1] =	stream.indirect.gather [hbm4b:s1+s15], $0x80, s30, s15, $0xb8;
	[tilespmem:$0x1EB80] =	vst v63  }
0xaa: {  	_ =	swait.ge [sflag:s21], $0x4000  }
0xab: {  	[sflag:s21] =	ssyncset.done $0x0  }
0xac: {  	[sflag:s21] =	ssyncadd.s32 $0xFFFFC000  }
0xad: {  	[spmem:s2] =	stream.indirect.scatter.add.f32 [tilespmem:s17], [sflag:$0x3], $0x80, s31, s15, $0xb8;
	[tilespmem:$0x1EB80] =	vst v63  }
0xae: {  	_ =	swait.ge [sflag:s13], $0x4000  }
0xaf: {  	[sflag:s13] =	ssyncset.done $0x0  }
0xb0: {  	[sflag:s13] =	ssyncadd.s32 $0xFFFFC000  }
0xb1: {  	v2 =	vld [tilespmem:$0x680];
	_ =	sdelay $0x7  }
0xb2: {  	[tilespmem:v2+s19+$0x0] =	vst.idx.add.f32.msk $0xffff, v1  }
0xb3: {  	v2 =	vld [tilespmem:$0x690];
	_ =	sdelay $0x7  }
0xb4: {  	[tilespmem:v2+s19+$0x0] =	vst.idx.add.f32.msk $0xffff, v1  }
0xb5: {  	v2 =	vld [tilespmem:$0x6A0];
	_ =	sdelay $0x7  }
0xb6: {  	[tilespmem:v2+s19+$0x0] =	vst.idx.add.f32.msk $0xffff, v1  }
0xb7: {  	v2 =	vld [tilespmem:$0x6B0];
	_ =	sdelay $0x7  }
0xb8: {  	[tilespmem:v2+s19+$0x0] =	vst.idx.add.f32.msk $0xffff, v1  }
0xb9: {  	v2 =	vld [tilespmem:$0x6C0];
	_ =	sdelay $0x7  }
0xba: {  	[tilespmem:v2+s19+$0x0] =	vst.idx.add.f32.msk $0xffff, v1  }
0xbb: {  	v2 =	vld [tilespmem:$0x6D0];
	_ =	sdelay $0x7  }
0xbc: {  	[tilespmem:v2+s19+$0x0] =	vst.idx.add.f32.msk $0xffff, v1  }
0xbd: {  	v2 =	vld [tilespmem:$0x6E0];
	_ =	sdelay $0x7  }
0xbe: {  	[tilespmem:v2+s19+$0x0] =	vst.idx.add.f32.msk $0xffff, v1  }
0xbf: {  	v2 =	vld [tilespmem:$0x6F0];
	_ =	sdelay $0x7  }
0xc0: {  	[tilespmem:v2+s19+$0x0] =	vst.idx.add.f32.msk $0xffff, v1  }
0xc1: {  	[tilespmem:s17], [sflag:$0x2] =	stream.indirect.gather [hbm4b:s1+s15], $0x80, s0, s15, $0xb8;
	[tilespmem:$0x1EB80] =	vst v63  }
0xc2: {  	_ =	swait.ge [sflag:s18], $0x4000  }
0xc3: {  	[sflag:s18] =	ssyncset.done $0x0  }
0xc4: {  	[sflag:s18] =	ssyncadd.s32 $0xFFFFC000  }
0xc5: {  	[spmem:s2] =	stream.indirect.scatter.add.f32 [tilespmem:s16], [sflag:$0x3], $0x80, s3, s15, $0xb8;
	[tilespmem:$0x1EB80] =	vst v63  }
0xc6: {  	_ =	swait.ge [sflag:s13], $0x4000  }
0xc7: {  	[sflag:s13] =	ssyncset.done $0x0  }
0xc8: {  	[sflag:s13] =	ssyncadd.s32 $0xFFFFC000  }
0xc9: {  	v2 =	vld [tilespmem:$0x700];
	_ =	sdelay $0x7  }
0xca: {  	[tilespmem:v2+s19+$0x0] =	vst.idx.add.f32.msk $0xffff, v1  }
0xcb: {  	v2 =	vld [tilespmem:$0x710];
	_ =	sdelay $0x7  }
0xcc: {  	[tilespmem:v2+s19+$0x0] =	vst.idx.add.f32.msk $0xffff, v1  }
0xcd: {  	v2 =	vld [tilespmem:$0x720];
	_ =	sdelay $0x7  }
0xce: {  	[tilespmem:v2+s19+$0x0] =	vst.idx.add.f32.msk $0xffff, v1  }
0xcf: {  	v2 =	vld [tilespmem:$0x730];
	_ =	sdelay $0x7  }
0xd0: {  	[tilespmem:v2+s19+$0x0] =	vst.idx.add.f32.msk $0xffff, v1  }
0xd1: {  	v2 =	vld [tilespmem:$0x740];
	_ =	sdelay $0x7  }
0xd2: {  	[tilespmem:v2+s19+$0x0] =	vst.idx.add.f32.msk $0xffff, v1  }
0xd3: {  	v2 =	vld [tilespmem:$0x750];
	_ =	sdelay $0x7  }
0xd4: {  	[tilespmem:v2+s19+$0x0] =	vst.idx.add.f32.msk $0xffff, v1  }
0xd5: {  	v2 =	vld [tilespmem:$0x760];
	_ =	sdelay $0x7  }
0xd6: {  	[tilespmem:v2+s19+$0x0] =	vst.idx.add.f32.msk $0xffff, v1  }
0xd7: {  	v2 =	vld [tilespmem:$0x770];
	_ =	sdelay $0x7  }
0xd8: {  	[tilespmem:v2+s19+$0x0] =	vst.idx.add.f32.msk $0xffff, v1  }
0xd9: {  	_ =	swait.ge [sflag:s21], $0x4000  }
0xda: {  	[sflag:s21] =	ssyncset.done $0x0  }
0xdb: {  	[sflag:s21] =	ssyncadd.s32 $0xFFFFC000  }
0xdc: {  	[spmem:s2] =	stream.indirect.scatter.add.f32 [tilespmem:s17], [sflag:$0x3], $0x80, s5, s15, $0xb8;
	[tilespmem:$0x1EB80] =	vst v63  }
0xdd: {  	_ =	swait.ge [sflag:s13], $0x4000  }
0xde: {  	[sflag:s13] =	ssyncset.done $0x0  }
0xdf: {  	[sflag:s13] =	ssyncadd.s32 $0xFFFFC000  }
0xe0: {  	v2 =	vld [tilespmem:$0x780];
	_ =	sdelay $0x7  }
0xe1: {  	[tilespmem:v2+s19+$0x0] =	vst.idx.add.f32.msk $0xffff, v1  }
0xe2: {  	v2 =	vld [tilespmem:$0x790];
	_ =	sdelay $0x7  }
0xe3: {  	[tilespmem:v2+s19+$0x0] =	vst.idx.add.f32.msk $0xffff, v1  }
0xe4: {  	v2 =	vld [tilespmem:$0x7A0];
	_ =	sdelay $0x7  }
0xe5: {  	[tilespmem:v2+s19+$0x0] =	vst.idx.add.f32.msk $0xffff, v1  }
0xe6: {  	v2 =	vld [tilespmem:$0x7B0];
	_ =	sdelay $0x7  }
0xe7: {  	[tilespmem:v2+s19+$0x0] =	vst.idx.add.f32.msk $0xffff, v1  }
0xe8: {  	v2 =	vld [tilespmem:$0x7C0];
	_ =	sdelay $0x7  }
0xe9: {  	[tilespmem:v2+s19+$0x0] =	vst.idx.add.f32.msk $0xffff, v1  }
0xea: {  	v2 =	vld [tilespmem:$0x7D0];
	_ =	sdelay $0x7  }
0xeb: {  	[tilespmem:v2+s19+$0x0] =	vst.idx.add.f32.msk $0xffff, v1  }
0xec: {  	v2 =	vld [tilespmem:$0x7E0];
	_ =	sdelay $0x7  }
0xed: {  	[tilespmem:v2+s19+$0x0] =	vst.idx.add.f32.msk $0xffff, v1  }
0xee: {  	v2 =	vld [tilespmem:$0x7F0];
	_ =	sdelay $0x2  }
0xef: {  	p0 =	sne.s32 s8, $0x480  }
.Ltmp1:
0xf0: {  	_ = 	snop;
	(pc) =	sbr.rel @p0 .LBB2_4-.Ltmp1, $2  }
0xf1: {  	_ =	sdelay $0x2  }
0xf2: {  	s8 =	sadd.s32 $0x80, s8;
	[tilespmem:v2+s19+$0x0] =	vst.idx.add.f32.msk $0xffff, v1  }
0xf3: {  	[bflag:$0x0] =	sbarrier.arrive $0xFFFF  }
0xf4: {  	s8 =	rddreg [dreg:$0x6]  }
0xf5: {  	[hbm:s8], [sflag:s6] =	dma.local [spmem:s12], $0x2780  }
0xf6: {  	_ =	swait.ge [sflag:s13], $0x2780  }
0xf7: {  	[sflag:s13] =	ssyncset.done $0x0  }
0xf8: {  	s9 =	rddreg [dreg:$0x7];
	[sflag:s13] =	ssyncadd.s32 $0xFFFFD880  }
0xf9: {  	[hbm4b:s9+s15] =	stream.strided.scatter [tilespmem:s19], [sflag:$0x3], $0x2780, s14, s15, $0x38;
	[tilespmem:$0x1EB80] =	vst v63  }
0xfa: {  	_ =	swait.ge [sflag:s13], $0x2780  }
0xfb: {  	s7 =	sadd.s32 $0x1, s7;
	s9 =	rddreg [dreg:$0x8]  }
0xfc: {  	p0 =	sne.s32 s7, s9  }
.Ltmp2:
0xfd: {  	_ = 	snop;
	(pc) =	sbr.rel @p0 .LBB2_1-.Ltmp2, $3  }
0xfe: {  	_ =	sdelay $0x1  }
0xff: {  	[sflag:s13] =	ssyncset.done $0x0  }
0x100: {  	[sflag:s13] =	ssyncadd.s32 $0xFFFFD880  }
0x101: {  	_ =	sfence.sel $0x180000  }
0x102: {  	[bflag:$0x0] =	sbarrier.arrive $0xFFFF  }
0x103: {  	_ =	strace $0x90000047  }
0x104: {  	s0 =	stileid.u32;
	[bflag:$0x2] =	sbarrier.arrive $0xFFFF  }
0x105: {  	p0 =	sne.s32 s0, $0x0;
	s0 =	rddreg [dreg:$0x4]  }
0x106: {  	s0 =	sadd.s32 @!p0 $0x100000, s0  }
0x107: {  	[sflag:s0] =	ssyncadd.tile.s32 @!p0 $0x1;
	_ =	shalt  }
.Lfunc_end2:
_tile_overlayer_lowered:
.L_overlay_start_2:
0x108: {  	(tag) =	ssettag $0x2  }
0x109: {  	s0 =	rddreg [dreg:$0x0];
	s2 =	stileid.u32  }
0x10a: {  	s1 =	rddreg [dreg:$0x1];
	p0 =	sne.s32 s2, $0x0  }
0x10b: {  	s3 =	rddreg [dreg:$0x2];
	[bflag:$0x3] =	sbarrier.arrive $0xFFFF;
	s2 =	simm.s32 @!p0 $0x1C03  }
0x10c: {  	[timem:s3], [sflag:s2] =	dma.local @!p0 [hbm:s0], s1  }
0x10d: {  	s0 =	simm.s32 @!p0 $0x3  }
0x10e: {  	_ =	swait.ge @!p0 [sflag:s0], s1  }
0x10f: {  	s1 =	ssub.s32 @!p0 $0x0, s1;
	[sflag:s0] =	ssyncset.done @!p0 $0x0  }
0x110: {  	[sflag:s0] =	ssyncadd.s32 @!p0 s1  }
0x111: {  	[bflag:$0x3] =	sbarrier.arrive $0xFFFF  }
0x112: {  	_ =	shalt  }

</sc_bundles>
